<compile_context>
chip_gen: v7x
topology: tpu7x:2x2x1
jax: 0.10.2.dev20260603
libtpu: 0.0.44.dev20260713+nightly
codegen_flags: <defaults>
</compile_context>

<pallas_src>
import functools

import jax
import jax.numpy as jnp
import numpy as np
from jax import lax
from jax.experimental import pallas as pl
from jax.experimental.pallas import tpu as pltpu
from jax.experimental.pallas import tpu_sc as plsc

_N_TRAIN = 128
_K = 16
_L = 16
_W = 256
_QB_NORM = 4096
_QB_COMB = 8192
_HI_MASK = np.uint32(0xFFFFFF80)
_LO_MASK = np.uint32(127)


def _sort16(k, descending):
    return plsc.sort_key_val(k, k, descending=descending)[0]


def _merge16(ak, bk, direction):
    nk = jnp.minimum(ak, bk)
    if direction is not None:
        nk = _sort16(nk, direction)
    return nk


def _sc_select(ged, y, n_query):
    info = plsc.get_sparse_core_info()
    nc, ns = info.num_cores, info.num_subcores
    q_per_w = n_query // (nc * ns)
    n_tiles = q_per_w // _W
    n_leaves = _N_TRAIN // _L

    mesh = plsc.VectorSubcoreMesh(core_axis_name="c", subcore_axis_name="s")

    @functools.partial(
        pl.kernel,
        mesh=mesh,
        out_type=(
            jax.ShapeDtypeStruct((_K, n_query), jnp.float32),
            jax.ShapeDtypeStruct((_K, n_query), jnp.float32),
        ),
        scratch_types=[
            pltpu.VMEM((2, _N_TRAIN, _W), jnp.float32),
            pltpu.VMEM((_K, _W), jnp.float32),
            pltpu.VMEM((_K, _W), jnp.float32),
            pltpu.VMEM((_N_TRAIN,), jnp.float32),
            pltpu.SemaphoreType.DMA,
            pltpu.SemaphoreType.DMA,
        ],
        compiler_params=pltpu.CompilerParams(
            use_tc_tiling_on_sc=True, needs_layout_passes=False
        ),
    )
    def sc_knn(ged_hbm, y_hbm, kk_hbm, pp_hbm, tile_v, kv_v, pv_v, y_v,
               sem0, sem1):
        wid = lax.axis_index("s") * nc + lax.axis_index("c")
        pltpu.sync_copy(y_hbm, y_v)
        iota = lax.iota(jnp.int32, _L)
        row_idx = [iota + _L * j for j in range(n_leaves)]
        row_idx_u = [r.astype(jnp.uint32) for r in row_idx]
        q0 = wid * q_per_w
        sems = (sem0, sem1)

        def in_copy(t, slot):
            return pltpu.make_async_copy(
                ged_hbm.at[:, pl.ds(q0 + t * _W, _W)],
                tile_v.at[slot],
                sems[slot],
            )

        in_copy(0, 0).start()

        def do_tile(t, slot):
            in_copy(t, slot).wait()
            buf = tile_v.at[slot]

            @plsc.parallel_loop(0, _W, 1, unroll=4)
            def q_body(q):
                col = jnp.full((_L,), q, jnp.int32)
                vs = [
                    plsc.load_gather(buf, [row_idx[j], col])
                    for j in range(n_leaves)
                ]
                kv = [
                    _sort16(
                        (plsc.bitcast(vs[j], jnp.uint32) & _HI_MASK)
                        | row_idx_u[j],
                        bool(j & 1),
                    )
                    for j in range(n_leaves)
                ]
                m0 = _merge16(kv[0], kv[1], False)
                m1 = _merge16(kv[2], kv[3], True)
                m2 = _merge16(kv[4], kv[5], False)
                m3 = _merge16(kv[6], kv[7], True)
                p0 = _merge16(m0, m1, False)
                p1 = _merge16(m2, m3, True)
                fki = _merge16(p0, p1, None)

                fk = plsc.bitcast(fki, jnp.float32)
                fp = plsc.load_gather(
                    y_v, [(fki & _LO_MASK).astype(jnp.int32)]
                )
                plsc.store_scatter(kv_v, [iota, col], fk)
                plsc.store_scatter(pv_v, [iota, col], fp)

            pltpu.sync_copy(kv_v, kk_hbm.at[:, pl.ds(q0 + t * _W, _W)])
            pltpu.sync_copy(pv_v, pp_hbm.at[:, pl.ds(q0 + t * _W, _W)])

        def pair_body(g, carry):
            t = g * 2
            in_copy(t + 1, 1).start()
            do_tile(t, 0)

            @pl.when(t + 2 < n_tiles)
            def _():
                in_copy(t + 2, 0).start()

            do_tile(t + 1, 1)
            return carry

        lax.fori_loop(0, n_tiles // 2, pair_body, 0)

    return sc_knn(ged, y)


def _tc_rinv(ged, n_query):

    def body(g_ref, o_ref):
        x = g_ref[...]
        s = jnp.sum(x * x, axis=0, keepdims=True)
        o_ref[...] = 1.0 / jnp.maximum(jnp.sqrt(s), 1e-12)

    return pl.pallas_call(
        body,
        grid=(n_query // _QB_NORM,),
        in_specs=[
            pl.BlockSpec((_N_TRAIN, _QB_NORM), lambda i: (0, i)),
        ],
        out_specs=pl.BlockSpec((1, _QB_NORM), lambda i: (0, i)),
        out_shape=jax.ShapeDtypeStruct((1, n_query), jnp.float32),
    )(ged)


def _tc_combine(kk, pp, rinv, n_query):

    def body(k_ref, p_ref, r_ref, o_ref):
        sim = 1.0 / (k_ref[...] * r_ref[...] + 1.0)
        num = jnp.sum(sim * p_ref[...], axis=0, keepdims=True)
        den = jnp.sum(sim, axis=0, keepdims=True)
        o_ref[...] = num / den

    return pl.pallas_call(
        body,
        grid=(n_query // _QB_COMB,),
        in_specs=[
            pl.BlockSpec((_K, _QB_COMB), lambda i: (0, i)),
            pl.BlockSpec((_K, _QB_COMB), lambda i: (0, i)),
            pl.BlockSpec((1, _QB_COMB), lambda i: (0, i)),
        ],
        out_specs=pl.BlockSpec((1, _QB_COMB), lambda i: (0, i)),
        out_shape=jax.ShapeDtypeStruct((1, n_query), jnp.float32),
    )(kk, pp, rinv)


def kernel(ged, y):
    n_train, n_query = ged.shape
    kk, pp = _sc_select(ged, y, n_query)
    rinv = _tc_rinv(ged, n_query)
    out = _tc_combine(kk, pp, rinv, n_query)
    return out.reshape(n_query)

# --- scband reference (transcript-rebuilt; emitter-appended) ---
"""Pipeline reference for scband-knn-regress-from-ged-64304250355827 (READ-ONLY COPY).

The authoritative reference and input builder live on the scoring server;
editing this copy changes nothing except your own understanding.
"""

import jax, jax.numpy as jnp
import numpy as np

N_TRAIN = 128
N_QUERY = 262144
K = 16


def setup_inputs(seed: int = 0) -> dict:
    key = jax.random.key(seed)
    ged = jax.random.uniform(key, (N_TRAIN, N_QUERY), dtype=jnp.float32)
    # learned/stored labels y (constructor arg), one label per training sample
    y = jnp.arange(N_TRAIN, dtype=jnp.float32) * 0.01
    return {"ged": ged, "y": y}


def reference(ged, y):
    # torch.nn.functional.normalize(ged, dim=0): L2 normalize columns, eps=1e-12
    norm = jnp.sqrt(jnp.sum(ged * ged, axis=0, keepdims=True))
    gedn = ged / jnp.maximum(norm, 1e-12)
    # torch.topk(gedn, K, dim=0, largest=False) -> smallest K per column, ascending
    neg_t = -jnp.swapaxes(gedn, 0, 1)            # [Q, N_train]
    vneg, idx = jax.lax.top_k(neg_t, K)          # [Q, K] descending of negatives
    val = jnp.swapaxes(-vneg, 0, 1)              # [K, Q] ascending smallest distances
    ind = jnp.swapaxes(idx, 0, 1)                # [K, Q]
    sim = 1.0 / (val + 1.0)
    return jnp.sum(sim * y[ind], axis=0) / jnp.sum(sim, axis=0)

if __name__ == "__main__":
    import jax
    _d = setup_inputs()
    print(jax.jit(kernel)(*tuple(_d.values())))

</pallas_src>

<mosaic_0001>
#map = affine_map<(d0, d1) -> (0, 0)>
#map1 = affine_map<(d0, d1) -> (0)>
module attributes {stable_mosaic.version = 14 : i64} {
  func.func @sc_knn(%arg0: i32, %arg1: i32, %arg2: memref<128x262144xf32, #tpu.memory_space<hbm>>, %arg3: memref<128xf32, #tpu.memory_space<hbm>>, %arg4: memref<16x262144xf32, #tpu.memory_space<hbm>>, %arg5: memref<16x262144xf32, #tpu.memory_space<hbm>>, %arg6: memref<2x128x256xf32, #tpu.memory_space<vmem>>, %arg7: memref<16x256xf32, #tpu.memory_space<vmem>>, %arg8: memref<16x256xf32, #tpu.memory_space<vmem>>, %arg9: memref<128xf32, #tpu.memory_space<vmem>>, %arg10: memref<!tpu.dma_semaphore, #tpu.memory_space<semaphore_mem>>, %arg11: memref<!tpu.dma_semaphore, #tpu.memory_space<semaphore_mem>>) attributes {dimension_semantics = [#tpu.dimension_semantics<core_parallel>, #tpu.dimension_semantics<subcore_parallel>], iteration_bounds = array<i64: 2, 16>, scalar_prefetch = 0 : i64, scratch_operands = 6 : i64, tpu.core_type = #tpu.core_type<sc_vector_subcore>, window_params = [{transform_indices = #map}, {transform_indices = #map1}, {transform_indices = #map}, {transform_indices = #map}]} {
    %mul3A = arith.constant 2 : i32
    %mul3A_0 = arith.muli %arg1, %mul3A : i32
    %add3A = arith.addi %mul3A_0, %arg0 : i32
    "tpu.region"() ({
      %run_scoped3A = tpu.sem_alloc : memref<!tpu.dma_semaphore, #tpu.memory_space<semaphore_mem>>
      tpu.enqueue_dma source(%arg3 : memref<128xf32, #tpu.memory_space<hbm>>) target(%arg9 : memref<128xf32, #tpu.memory_space<vmem>>) target_semaphore(%run_scoped3A : memref<!tpu.dma_semaphore, #tpu.memory_space<semaphore_mem>>)
      tpu.wait_dma2 semaphore(%run_scoped3A : memref<!tpu.dma_semaphore, #tpu.memory_space<semaphore_mem>>) src(%arg3 : memref<128xf32, #tpu.memory_space<hbm>>) dst(%arg9 : memref<128xf32, #tpu.memory_space<vmem>>)
      tpu.yield
    }) : () -> ()
    %iota3A = tpu.iota {dimensions = array<i32: 0>} : vector<16xi32>
    %add3A_1 = arith.constant 0 : i32
    %add3A_2 = vector.broadcast %add3A_1 : i32 to vector<16xi32>
    %add3A_3 = arith.addi %iota3A, %add3A_2 : vector<16xi32>
    %add3A_4 = arith.constant 16 : i32
    %add3A_5 = vector.broadcast %add3A_4 : i32 to vector<16xi32>
    %add3A_6 = arith.addi %iota3A, %add3A_5 : vector<16xi32>
    %add3A_7 = arith.constant 32 : i32
    %add3A_8 = vector.broadcast %add3A_7 : i32 to vector<16xi32>
    %add3A_9 = arith.addi %iota3A, %add3A_8 : vector<16xi32>
    %add3A_10 = arith.constant 48 : i32
    %add3A_11 = vector.broadcast %add3A_10 : i32 to vector<16xi32>
    %add3A_12 = arith.addi %iota3A, %add3A_11 : vector<16xi32>
    %add3A_13 = arith.constant 64 : i32
    %add3A_14 = vector.broadcast %add3A_13 : i32 to vector<16xi32>
    %add3A_15 = arith.addi %iota3A, %add3A_14 : vector<16xi32>
    %add3A_16 = arith.constant 80 : i32
    %add3A_17 = vector.broadcast %add3A_16 : i32 to vector<16xi32>
    %add3A_18 = arith.addi %iota3A, %add3A_17 : vector<16xi32>
    %add3A_19 = arith.constant 96 : i32
    %add3A_20 = vector.broadcast %add3A_19 : i32 to vector<16xi32>
    %add3A_21 = arith.addi %iota3A, %add3A_20 : vector<16xi32>
    %add3A_22 = arith.constant 112 : i32
    %add3A_23 = vector.broadcast %add3A_22 : i32 to vector<16xi32>
    %add3A_24 = arith.addi %iota3A, %add3A_23 : vector<16xi32>
    %mul3A_25 = arith.constant 8192 : i32
    %mul3A_26 = arith.muli %add3A, %mul3A_25 : i32
    %add3A_27 = arith.constant 0 : i32
    %add3A_28 = arith.addi %mul3A_26, %add3A_27 : i32
    %dma_start3A = arith.constant 0 : i32
    %dma_start3A_29 = arith.constant 0 : i32
    %dma_start3A_30 = arith.constant 0 : i32
    %dma_start3A_31 = tpu.memref_slice %arg6[%dma_start3A, %dma_start3A_29, %dma_start3A_30] : memref<2x128x256xf32, #tpu.memory_space<vmem>> -> memref<1x128x256xf32, #tpu.memory_space<vmem>>
    %dma_start3A_32 = tpu.memref_squeeze %dma_start3A_31 : memref<1x128x256xf32, #tpu.memory_space<vmem>> -> memref<128x256xf32, #tpu.memory_space<vmem>>
    %dma_start3A_33 = arith.constant 0 : i32
    %dma_start3A_34 = tpu.memref_slice %arg2[%dma_start3A_33, %add3A_28] : memref<128x262144xf32, #tpu.memory_space<hbm>> -> memref<128x256xf32, #tpu.memory_space<hbm>>
    %dma_start3A_35 = arith.constant 0 : i32
    %dma_start3A_36 = arith.constant 0 : i32
    %dma_start3A_37 = tpu.memref_slice %arg6[%dma_start3A, %dma_start3A_35, %dma_start3A_36] : memref<2x128x256xf32, #tpu.memory_space<vmem>> -> memref<1x128x256xf32, #tpu.memory_space<vmem>>
    %dma_start3A_38 = tpu.memref_squeeze %dma_start3A_37 : memref<1x128x256xf32, #tpu.memory_space<vmem>> -> memref<128x256xf32, #tpu.memory_space<vmem>>
    %dma_start3A_39 = arith.constant 0 : i32
    %dma_start3A_40 = tpu.memref_slice %arg2[%dma_start3A_39, %add3A_28] : memref<128x262144xf32, #tpu.memory_space<hbm>> -> memref<128x256xf32, #tpu.memory_space<hbm>>
    tpu.enqueue_dma source(%dma_start3A_40 : memref<128x256xf32, #tpu.memory_space<hbm>>) target(%dma_start3A_38 : memref<128x256xf32, #tpu.memory_space<vmem>>) target_semaphore(%arg10 : memref<!tpu.dma_semaphore, #tpu.memory_space<semaphore_mem>>)
    %scan3A = arith.constant 0 : i32
    %scan3A_41 = arith.constant 0 : i32
    %scan3A_42 = arith.constant 16 : i32
    %scan3A_43 = arith.addi %scan3A_41, %scan3A_42 : i32
    %scan3A_44 = arith.constant 1 : i32
    scf.for %scan3A_46 = %scan3A_41 to %scan3A_43 step %scan3A_44  : i32 {
      %mul3A_47 = arith.constant 2 : i32
      %mul3A_48 = arith.muli %scan3A_46, %mul3A_47 : i32
      %add3A_49 = arith.constant 1 : i32
      %add3A_50 = arith.addi %mul3A_48, %add3A_49 : i32
      %mul3A_51 = arith.constant 256 : i32
      %mul3A_52 = arith.muli %add3A_50, %mul3A_51 : i32
      %add3A_53 = arith.addi %mul3A_26, %mul3A_52 : i32
      %dma_start3A_54 = arith.constant 1 : i32
      %dma_start3A_55 = arith.constant 0 : i32
      %dma_start3A_56 = arith.constant 0 : i32
      %dma_start3A_57 = tpu.memref_slice %arg6[%dma_start3A_54, %dma_start3A_55, %dma_start3A_56] : memref<2x128x256xf32, #tpu.memory_space<vmem>> -> memref<1x128x256xf32, #tpu.memory_space<vmem>>
      %dma_start3A_58 = tpu.memref_squeeze %dma_start3A_57 : memref<1x128x256xf32, #tpu.memory_space<vmem>> -> memref<128x256xf32, #tpu.memory_space<vmem>>
      %dma_start3A_59 = arith.constant 0 : i32
      %dma_start3A_60 = tpu.memref_slice %arg2[%dma_start3A_59, %add3A_53] : memref<128x262144xf32, #tpu.memory_space<hbm>> -> memref<128x256xf32, #tpu.memory_space<hbm>>
      %dma_start3A_61 = arith.constant 0 : i32
      %dma_start3A_62 = arith.constant 0 : i32
      %dma_start3A_63 = tpu.memref_slice %arg6[%dma_start3A_54, %dma_start3A_61, %dma_start3A_62] : memref<2x128x256xf32, #tpu.memory_space<vmem>> -> memref<1x128x256xf32, #tpu.memory_space<vmem>>
      %dma_start3A_64 = tpu.memref_squeeze %dma_start3A_63 : memref<1x128x256xf32, #tpu.memory_space<vmem>> -> memref<128x256xf32, #tpu.memory_space<vmem>>
      %dma_start3A_65 = arith.constant 0 : i32
      %dma_start3A_66 = tpu.memref_slice %arg2[%dma_start3A_65, %add3A_53] : memref<128x262144xf32, #tpu.memory_space<hbm>> -> memref<128x256xf32, #tpu.memory_space<hbm>>
      tpu.enqueue_dma source(%dma_start3A_66 : memref<128x256xf32, #tpu.memory_space<hbm>>) target(%dma_start3A_64 : memref<128x256xf32, #tpu.memory_space<vmem>>) target_semaphore(%arg11 : memref<!tpu.dma_semaphore, #tpu.memory_space<semaphore_mem>>)
      %mul3A_67 = arith.constant 256 : i32
      %mul3A_68 = arith.muli %mul3A_48, %mul3A_67 : i32
      %add3A_69 = arith.addi %mul3A_26, %mul3A_68 : i32
      %dma_wait3A = arith.constant 0 : i32
      %dma_wait3A_70 = arith.constant 0 : i32
      %dma_wait3A_71 = arith.constant 0 : i32
      %dma_wait3A_72 = tpu.memref_slice %arg6[%dma_wait3A, %dma_wait3A_70, %dma_wait3A_71] : memref<2x128x256xf32, #tpu.memory_space<vmem>> -> memref<1x128x256xf32, #tpu.memory_space<vmem>>
      %dma_wait3A_73 = tpu.memref_squeeze %dma_wait3A_72 : memref<1x128x256xf32, #tpu.memory_space<vmem>> -> memref<128x256xf32, #tpu.memory_space<vmem>>
      %dma_wait3A_74 = arith.constant 0 : i32
      %dma_wait3A_75 = tpu.memref_slice %arg2[%dma_wait3A_74, %add3A_69] : memref<128x262144xf32, #tpu.memory_space<hbm>> -> memref<128x256xf32, #tpu.memory_space<hbm>>
      %dma_wait3A_76 = arith.constant 0 : i32
      %dma_wait3A_77 = arith.constant 0 : i32
      %dma_wait3A_78 = tpu.memref_slice %arg6[%dma_wait3A, %dma_wait3A_76, %dma_wait3A_77] : memref<2x128x256xf32, #tpu.memory_space<vmem>> -> memref<1x128x256xf32, #tpu.memory_space<vmem>>
      %dma_wait3A_79 = tpu.memref_squeeze %dma_wait3A_78 : memref<1x128x256xf32, #tpu.memory_space<vmem>> -> memref<128x256xf32, #tpu.memory_space<vmem>>
      %dma_wait3A_80 = arith.constant 0 : i32
      %dma_wait3A_81 = tpu.memref_slice %arg2[%dma_wait3A_80, %add3A_69] : memref<128x262144xf32, #tpu.memory_space<hbm>> -> memref<128x256xf32, #tpu.memory_space<hbm>>
      tpu.wait_dma2 semaphore(%arg10 : memref<!tpu.dma_semaphore, #tpu.memory_space<semaphore_mem>>) src(%dma_wait3A_81 : memref<128x256xf32, #tpu.memory_space<hbm>>) dst(%dma_wait3A_79 : memref<128x256xf32, #tpu.memory_space<vmem>>)
      %parallel_loop3A = arith.constant 0 : i32
      %parallel_loop3A_82 = arith.constant 256 : i32
      %parallel_loop3A_83 = arith.constant 1 : i32
      %parallel_loop3A_84 = arith.constant 0 : i32
      scf.for %parallel_loop3A_123 = %parallel_loop3A to %parallel_loop3A_82 step %parallel_loop3A_83  : i32 {
        %parallel_loop3A_124 = vector.broadcast %parallel_loop3A_123 : i32 to vector<16xi32>
        %parallel_loop3A_125 = arith.constant 0 : i32
        %parallel_loop3A_126 = arith.constant 0 : i32
        %parallel_loop3A_127 = tpu.memref_slice %arg6[%parallel_loop3A_84, %parallel_loop3A_125, %parallel_loop3A_126] : memref<2x128x256xf32, #tpu.memory_space<vmem>> -> memref<1x128x256xf32, #tpu.memory_space<vmem>>
        %parallel_loop3A_128 = tpu.memref_squeeze %parallel_loop3A_127 : memref<1x128x256xf32, #tpu.memory_space<vmem>> -> memref<128x256xf32, #tpu.memory_space<vmem>>
        %parallel_loop3A_129 = tpu.vector_load_idx %parallel_loop3A_128[%add3A_3, %parallel_loop3A_124] : memref<128x256xf32, #tpu.memory_space<vmem>>[vector<16xi32>, vector<16xi32>], vector<16xf32>,
        %parallel_loop3A_130 = arith.constant 0 : i32
        %parallel_loop3A_131 = arith.constant 0 : i32
        %parallel_loop3A_132 = tpu.memref_slice %arg6[%parallel_loop3A_84, %parallel_loop3A_130, %parallel_loop3A_131] : memref<2x128x256xf32, #tpu.memory_space<vmem>> -> memref<1x128x256xf32, #tpu.memory_space<vmem>>
        %parallel_loop3A_133 = tpu.memref_squeeze %parallel_loop3A_132 : memref<1x128x256xf32, #tpu.memory_space<vmem>> -> memref<128x256xf32, #tpu.memory_space<vmem>>
        %parallel_loop3A_134 = tpu.vector_load_idx %parallel_loop3A_133[%add3A_6, %parallel_loop3A_124] : memref<128x256xf32, #tpu.memory_space<vmem>>[vector<16xi32>, vector<16xi32>], vector<16xf32>,
        %parallel_loop3A_135 = arith.constant 0 : i32
        %parallel_loop3A_136 = arith.constant 0 : i32
        %parallel_loop3A_137 = tpu.memref_slice %arg6[%parallel_loop3A_84, %parallel_loop3A_135, %parallel_loop3A_136] : memref<2x128x256xf32, #tpu.memory_space<vmem>> -> memref<1x128x256xf32, #tpu.memory_space<vmem>>
        %parallel_loop3A_138 = tpu.memref_squeeze %parallel_loop3A_137 : memref<1x128x256xf32, #tpu.memory_space<vmem>> -> memref<128x256xf32, #tpu.memory_space<vmem>>
        %parallel_loop3A_139 = tpu.vector_load_idx %parallel_loop3A_138[%add3A_9, %parallel_loop3A_124] : memref<128x256xf32, #tpu.memory_space<vmem>>[vector<16xi32>, vector<16xi32>], vector<16xf32>,
        %parallel_loop3A_140 = arith.constant 0 : i32
        %parallel_loop3A_141 = arith.constant 0 : i32
        %parallel_loop3A_142 = tpu.memref_slice %arg6[%parallel_loop3A_84, %parallel_loop3A_140, %parallel_loop3A_141] : memref<2x128x256xf32, #tpu.memory_space<vmem>> -> memref<1x128x256xf32, #tpu.memory_space<vmem>>
        %parallel_loop3A_143 = tpu.memref_squeeze %parallel_loop3A_142 : memref<1x128x256xf32, #tpu.memory_space<vmem>> -> memref<128x256xf32, #tpu.memory_space<vmem>>
        %parallel_loop3A_144 = tpu.vector_load_idx %parallel_loop3A_143[%add3A_12, %parallel_loop3A_124] : memref<128x256xf32, #tpu.memory_space<vmem>>[vector<16xi32>, vector<16xi32>], vector<16xf32>,
        %parallel_loop3A_145 = arith.constant 0 : i32
        %parallel_loop3A_146 = arith.constant 0 : i32
        %parallel_loop3A_147 = tpu.memref_slice %arg6[%parallel_loop3A_84, %parallel_loop3A_145, %parallel_loop3A_146] : memref<2x128x256xf32, #tpu.memory_space<vmem>> -> memref<1x128x256xf32, #tpu.memory_space<vmem>>
        %parallel_loop3A_148 = tpu.memref_squeeze %parallel_loop3A_147 : memref<1x128x256xf32, #tpu.memory_space<vmem>> -> memref<128x256xf32, #tpu.memory_space<vmem>>
        %parallel_loop3A_149 = tpu.vector_load_idx %parallel_loop3A_148[%add3A_15, %parallel_loop3A_124] : memref<128x256xf32, #tpu.memory_space<vmem>>[vector<16xi32>, vector<16xi32>], vector<16xf32>,
        %parallel_loop3A_150 = arith.constant 0 : i32
        %parallel_loop3A_151 = arith.constant 0 : i32
        %parallel_loop3A_152 = tpu.memref_slice %arg6[%parallel_loop3A_84, %parallel_loop3A_150, %parallel_loop3A_151] : memref<2x128x256xf32, #tpu.memory_space<vmem>> -> memref<1x128x256xf32, #tpu.memory_space<vmem>>
        %parallel_loop3A_153 = tpu.memref_squeeze %parallel_loop3A_152 : memref<1x128x256xf32, #tpu.memory_space<vmem>> -> memref<128x256xf32, #tpu.memory_space<vmem>>
        %parallel_loop3A_154 = tpu.vector_load_idx %parallel_loop3A_153[%add3A_18, %parallel_loop3A_124] : memref<128x256xf32, #tpu.memory_space<vmem>>[vector<16xi32>, vector<16xi32>], vector<16xf32>,
        %parallel_loop3A_155 = arith.constant 0 : i32
        %parallel_loop3A_156 = arith.constant 0 : i32
        %parallel_loop3A_157 = tpu.memref_slice %arg6[%parallel_loop3A_84, %parallel_loop3A_155, %parallel_loop3A_156] : memref<2x128x256xf32, #tpu.memory_space<vmem>> -> memref<1x128x256xf32, #tpu.memory_space<vmem>>
        %parallel_loop3A_158 = tpu.memref_squeeze %parallel_loop3A_157 : memref<1x128x256xf32, #tpu.memory_space<vmem>> -> memref<128x256xf32, #tpu.memory_space<vmem>>
        %parallel_loop3A_159 = tpu.vector_load_idx %parallel_loop3A_158[%add3A_21, %parallel_loop3A_124] : memref<128x256xf32, #tpu.memory_space<vmem>>[vector<16xi32>, vector<16xi32>], vector<16xf32>,
        %parallel_loop3A_160 = arith.constant 0 : i32
        %parallel_loop3A_161 = arith.constant 0 : i32
        %parallel_loop3A_162 = tpu.memref_slice %arg6[%parallel_loop3A_84, %parallel_loop3A_160, %parallel_loop3A_161] : memref<2x128x256xf32, #tpu.memory_space<vmem>> -> memref<1x128x256xf32, #tpu.memory_space<vmem>>
        %parallel_loop3A_163 = tpu.memref_squeeze %parallel_loop3A_162 : memref<1x128x256xf32, #tpu.memory_space<vmem>> -> memref<128x256xf32, #tpu.memory_space<vmem>>
        %parallel_loop3A_164 = tpu.vector_load_idx %parallel_loop3A_163[%add3A_24, %parallel_loop3A_124] : memref<128x256xf32, #tpu.memory_space<vmem>>[vector<16xi32>, vector<16xi32>], vector<16xf32>,
        %parallel_loop3A_165 = vector.bitcast %parallel_loop3A_129 : vector<16xf32> to vector<16xi32>
        %parallel_loop3A_166 = arith.constant -128 : i32
        %parallel_loop3A_167 = vector.broadcast %parallel_loop3A_166 : i32 to vector<16xi32>
        %parallel_loop3A_168 = arith.andi %parallel_loop3A_165, %parallel_loop3A_167 : vector<16xi32>
        %parallel_loop3A_169 = arith.ori %parallel_loop3A_168, %add3A_3 : vector<16xi32>
        %parallel_loop3A_170 = arith.constant dense<true> : vector<16xi1>
        %parallel_loop3A_171, %parallel_loop3A_172, %parallel_loop3A_173 = tpu.sort %parallel_loop3A_169, %parallel_loop3A_169 masked %parallel_loop3A_170 : (vector<16xi32>, vector<16xi32>, vector<16xi1>) -> (vector<16xi1>, vector<16xi32>, vector<16xi32>)
        %parallel_loop3A_174 = vector.bitcast %parallel_loop3A_134 : vector<16xf32> to vector<16xi32>
        %parallel_loop3A_175 = arith.constant -128 : i32
        %parallel_loop3A_176 = vector.broadcast %parallel_loop3A_175 : i32 to vector<16xi32>
        %parallel_loop3A_177 = arith.andi %parallel_loop3A_174, %parallel_loop3A_176 : vector<16xi32>
        %parallel_loop3A_178 = arith.ori %parallel_loop3A_177, %add3A_6 : vector<16xi32>
        %parallel_loop3A_179 = arith.constant dense<true> : vector<16xi1>
        %parallel_loop3A_180, %parallel_loop3A_181, %parallel_loop3A_182 = tpu.sort %parallel_loop3A_178, %parallel_loop3A_178 masked %parallel_loop3A_179 {descending = true} : (vector<16xi32>, vector<16xi32>, vector<16xi1>) -> (vector<16xi1>, vector<16xi32>, vector<16xi32>)
        %parallel_loop3A_183 = vector.bitcast %parallel_loop3A_139 : vector<16xf32> to vector<16xi32>
        %parallel_loop3A_184 = arith.constant -128 : i32
        %parallel_loop3A_185 = vector.broadcast %parallel_loop3A_184 : i32 to vector<16xi32>
        %parallel_loop3A_186 = arith.andi %parallel_loop3A_183, %parallel_loop3A_185 : vector<16xi32>
        %parallel_loop3A_187 = arith.ori %parallel_loop3A_186, %add3A_9 : vector<16xi32>
        %parallel_loop3A_188 = arith.constant dense<true> : vector<16xi1>
        %parallel_loop3A_189, %parallel_loop3A_190, %parallel_loop3A_191 = tpu.sort %parallel_loop3A_187, %parallel_loop3A_187 masked %parallel_loop3A_188 : (vector<16xi32>, vector<16xi32>, vector<16xi1>) -> (vector<16xi1>, vector<16xi32>, vector<16xi32>)
        %parallel_loop3A_192 = vector.bitcast %parallel_loop3A_144 : vector<16xf32> to vector<16xi32>
        %parallel_loop3A_193 = arith.constant -128 : i32
        %parallel_loop3A_194 = vector.broadcast %parallel_loop3A_193 : i32 to vector<16xi32>
        %parallel_loop3A_195 = arith.andi %parallel_loop3A_192, %parallel_loop3A_194 : vector<16xi32>
        %parallel_loop3A_196 = arith.ori %parallel_loop3A_195, %add3A_12 : vector<16xi32>
        %parallel_loop3A_197 = arith.constant dense<true> : vector<16xi1>
        %parallel_loop3A_198, %parallel_loop3A_199, %parallel_loop3A_200 = tpu.sort %parallel_loop3A_196, %parallel_loop3A_196 masked %parallel_loop3A_197 {descending = true} : (vector<16xi32>, vector<16xi32>, vector<16xi1>) -> (vector<16xi1>, vector<16xi32>, vector<16xi32>)
        %parallel_loop3A_201 = vector.bitcast %parallel_loop3A_149 : vector<16xf32> to vector<16xi32>
        %parallel_loop3A_202 = arith.constant -128 : i32
        %parallel_loop3A_203 = vector.broadcast %parallel_loop3A_202 : i32 to vector<16xi32>
        %parallel_loop3A_204 = arith.andi %parallel_loop3A_201, %parallel_loop3A_203 : vector<16xi32>
        %parallel_loop3A_205 = arith.ori %parallel_loop3A_204, %add3A_15 : vector<16xi32>
        %parallel_loop3A_206 = arith.constant dense<true> : vector<16xi1>
        %parallel_loop3A_207, %parallel_loop3A_208, %parallel_loop3A_209 = tpu.sort %parallel_loop3A_205, %parallel_loop3A_205 masked %parallel_loop3A_206 : (vector<16xi32>, vector<16xi32>, vector<16xi1>) -> (vector<16xi1>, vector<16xi32>, vector<16xi32>)
        %parallel_loop3A_210 = vector.bitcast %parallel_loop3A_154 : vector<16xf32> to vector<16xi32>
        %parallel_loop3A_211 = arith.constant -128 : i32
        %parallel_loop3A_212 = vector.broadcast %parallel_loop3A_211 : i32 to vector<16xi32>
        %parallel_loop3A_213 = arith.andi %parallel_loop3A_210, %parallel_loop3A_212 : vector<16xi32>
        %parallel_loop3A_214 = arith.ori %parallel_loop3A_213, %add3A_18 : vector<16xi32>
        %parallel_loop3A_215 = arith.constant dense<true> : vector<16xi1>
        %parallel_loop3A_216, %parallel_loop3A_217, %parallel_loop3A_218 = tpu.sort %parallel_loop3A_214, %parallel_loop3A_214 masked %parallel_loop3A_215 {descending = true} : (vector<16xi32>, vector<16xi32>, vector<16xi1>) -> (vector<16xi1>, vector<16xi32>, vector<16xi32>)
        %parallel_loop3A_219 = vector.bitcast %parallel_loop3A_159 : vector<16xf32> to vector<16xi32>
        %parallel_loop3A_220 = arith.constant -128 : i32
        %parallel_loop3A_221 = vector.broadcast %parallel_loop3A_220 : i32 to vector<16xi32>
        %parallel_loop3A_222 = arith.andi %parallel_loop3A_219, %parallel_loop3A_221 : vector<16xi32>
        %parallel_loop3A_223 = arith.ori %parallel_loop3A_222, %add3A_21 : vector<16xi32>
        %parallel_loop3A_224 = arith.constant dense<true> : vector<16xi1>
        %parallel_loop3A_225, %parallel_loop3A_226, %parallel_loop3A_227 = tpu.sort %parallel_loop3A_223, %parallel_loop3A_223 masked %parallel_loop3A_224 : (vector<16xi32>, vector<16xi32>, vector<16xi1>) -> (vector<16xi1>, vector<16xi32>, vector<16xi32>)
        %parallel_loop3A_228 = vector.bitcast %parallel_loop3A_164 : vector<16xf32> to vector<16xi32>
        %parallel_loop3A_229 = arith.constant -128 : i32
        %parallel_loop3A_230 = vector.broadcast %parallel_loop3A_229 : i32 to vector<16xi32>
        %parallel_loop3A_231 = arith.andi %parallel_loop3A_228, %parallel_loop3A_230 : vector<16xi32>
        %parallel_loop3A_232 = arith.ori %parallel_loop3A_231, %add3A_24 : vector<16xi32>
        %parallel_loop3A_233 = arith.constant dense<true> : vector<16xi1>
        %parallel_loop3A_234, %parallel_loop3A_235, %parallel_loop3A_236 = tpu.sort %parallel_loop3A_232, %parallel_loop3A_232 masked %parallel_loop3A_233 {descending = true} : (vector<16xi32>, vector<16xi32>, vector<16xi1>) -> (vector<16xi1>, vector<16xi32>, vector<16xi32>)
        %parallel_loop3A_237 = arith.minui %parallel_loop3A_172, %parallel_loop3A_181 : vector<16xi32>
        %parallel_loop3A_238 = arith.constant dense<true> : vector<16xi1>
        %parallel_loop3A_239, %parallel_loop3A_240, %parallel_loop3A_241 = tpu.sort %parallel_loop3A_237, %parallel_loop3A_237 masked %parallel_loop3A_238 : (vector<16xi32>, vector<16xi32>, vector<16xi1>) -> (vector<16xi1>, vector<16xi32>, vector<16xi32>)
        %parallel_loop3A_242 = arith.minui %parallel_loop3A_190, %parallel_loop3A_199 : vector<16xi32>
        %parallel_loop3A_243 = arith.constant dense<true> : vector<16xi1>
        %parallel_loop3A_244, %parallel_loop3A_245, %parallel_loop3A_246 = tpu.sort %parallel_loop3A_242, %parallel_loop3A_242 masked %parallel_loop3A_243 {descending = true} : (vector<16xi32>, vector<16xi32>, vector<16xi1>) -> (vector<16xi1>, vector<16xi32>, vector<16xi32>)
        %parallel_loop3A_247 = arith.minui %parallel_loop3A_208, %parallel_loop3A_217 : vector<16xi32>
        %parallel_loop3A_248 = arith.constant dense<true> : vector<16xi1>
        %parallel_loop3A_249, %parallel_loop3A_250, %parallel_loop3A_251 = tpu.sort %parallel_loop3A_247, %parallel_loop3A_247 masked %parallel_loop3A_248 : (vector<16xi32>, vector<16xi32>, vector<16xi1>) -> (vector<16xi1>, vector<16xi32>, vector<16xi32>)
        %parallel_loop3A_252 = arith.minui %parallel_loop3A_226, %parallel_loop3A_235 : vector<16xi32>
        %parallel_loop3A_253 = arith.constant dense<true> : vector<16xi1>
        %parallel_loop3A_254, %parallel_loop3A_255, %parallel_loop3A_256 = tpu.sort %parallel_loop3A_252, %parallel_loop3A_252 masked %parallel_loop3A_253 {descending = true} : (vector<16xi32>, vector<16xi32>, vector<16xi1>) -> (vector<16xi1>, vector<16xi32>, vector<16xi32>)
        %parallel_loop3A_257 = arith.minui %parallel_loop3A_240, %parallel_loop3A_245 : vector<16xi32>
        %parallel_loop3A_258 = arith.constant dense<true> : vector<16xi1>
        %parallel_loop3A_259, %parallel_loop3A_260, %parallel_loop3A_261 = tpu.sort %parallel_loop3A_257, %parallel_loop3A_257 masked %parallel_loop3A_258 : (vector<16xi32>, vector<16xi32>, vector<16xi1>) -> (vector<16xi1>, vector<16xi32>, vector<16xi32>)
        %parallel_loop3A_262 = arith.minui %parallel_loop3A_250, %parallel_loop3A_255 : vector<16xi32>
        %parallel_loop3A_263 = arith.constant dense<true> : vector<16xi1>
        %parallel_loop3A_264, %parallel_loop3A_265, %parallel_loop3A_266 = tpu.sort %parallel_loop3A_262, %parallel_loop3A_262 masked %parallel_loop3A_263 {descending = true} : (vector<16xi32>, vector<16xi32>, vector<16xi1>) -> (vector<16xi1>, vector<16xi32>, vector<16xi32>)
        %parallel_loop3A_267 = arith.minui %parallel_loop3A_260, %parallel_loop3A_265 : vector<16xi32>
        %parallel_loop3A_268 = vector.bitcast %parallel_loop3A_267 : vector<16xi32> to vector<16xf32>
        %parallel_loop3A_269 = arith.constant 127 : i32
        %parallel_loop3A_270 = vector.broadcast %parallel_loop3A_269 : i32 to vector<16xi32>
        %parallel_loop3A_271 = arith.andi %parallel_loop3A_267, %parallel_loop3A_270 : vector<16xi32>
        %parallel_loop3A_272 = tpu.vector_load_idx %arg9[%parallel_loop3A_271] : memref<128xf32, #tpu.memory_space<vmem>>[vector<16xi32>], vector<16xf32>,
        tpu.vector_store_idx %arg7[%iota3A, %parallel_loop3A_124], %parallel_loop3A_268 : memref<16x256xf32, #tpu.memory_space<vmem>>[vector<16xi32>, vector<16xi32>], vector<16xf32>,
        tpu.vector_store_idx %arg8[%iota3A, %parallel_loop3A_124], %parallel_loop3A_272 : memref<16x256xf32, #tpu.memory_space<vmem>>[vector<16xi32>, vector<16xi32>], vector<16xf32>,
      } {sc.loop_unroll_factor = 4 : i64, sc.parallel_access}
      %mul3A_85 = arith.constant 256 : i32
      %mul3A_86 = arith.muli %mul3A_48, %mul3A_85 : i32
      %add3A_87 = arith.addi %mul3A_26, %mul3A_86 : i32
      "tpu.region"() ({
        %run_scoped3A = tpu.sem_alloc : memref<!tpu.dma_semaphore, #tpu.memory_space<semaphore_mem>>
        %dma_start3A_123 = arith.constant 0 : i32
        %dma_start3A_124 = tpu.memref_slice %arg4[%dma_start3A_123, %add3A_87] : memref<16x262144xf32, #tpu.memory_space<hbm>> -> memref<16x256xf32, #tpu.memory_space<hbm>>
        %dma_start3A_125 = arith.constant 0 : i32
        %dma_start3A_126 = tpu.memref_slice %arg4[%dma_start3A_125, %add3A_87] : memref<16x262144xf32, #tpu.memory_space<hbm>> -> memref<16x256xf32, #tpu.memory_space<hbm>>
        tpu.enqueue_dma source(%arg7 : memref<16x256xf32, #tpu.memory_space<vmem>>) target(%dma_start3A_126 : memref<16x256xf32, #tpu.memory_space<hbm>>) target_semaphore(%run_scoped3A : memref<!tpu.dma_semaphore, #tpu.memory_space<semaphore_mem>>)
        %dma_wait3A_127 = arith.constant 0 : i32
        %dma_wait3A_128 = tpu.memref_slice %arg4[%dma_wait3A_127, %add3A_87] : memref<16x262144xf32, #tpu.memory_space<hbm>> -> memref<16x256xf32, #tpu.memory_space<hbm>>
        %dma_wait3A_129 = arith.constant 0 : i32
        %dma_wait3A_130 = tpu.memref_slice %arg4[%dma_wait3A_129, %add3A_87] : memref<16x262144xf32, #tpu.memory_space<hbm>> -> memref<16x256xf32, #tpu.memory_space<hbm>>
        tpu.wait_dma2 semaphore(%run_scoped3A : memref<!tpu.dma_semaphore, #tpu.memory_space<semaphore_mem>>) src(%arg7 : memref<16x256xf32, #tpu.memory_space<vmem>>) dst(%dma_wait3A_130 : memref<16x256xf32, #tpu.memory_space<hbm>>)
        tpu.yield
      }) : () -> ()
      %mul3A_88 = arith.constant 256 : i32
      %mul3A_89 = arith.muli %mul3A_48, %mul3A_88 : i32
      %add3A_90 = arith.addi %mul3A_26, %mul3A_89 : i32
      "tpu.region"() ({
        %run_scoped3A = tpu.sem_alloc : memref<!tpu.dma_semaphore, #tpu.memory_space<semaphore_mem>>
        %dma_start3A_123 = arith.constant 0 : i32
        %dma_start3A_124 = tpu.memref_slice %arg5[%dma_start3A_123, %add3A_90] : memref<16x262144xf32, #tpu.memory_space<hbm>> -> memref<16x256xf32, #tpu.memory_space<hbm>>
        %dma_start3A_125 = arith.constant 0 : i32
        %dma_start3A_126 = tpu.memref_slice %arg5[%dma_start3A_125, %add3A_90] : memref<16x262144xf32, #tpu.memory_space<hbm>> -> memref<16x256xf32, #tpu.memory_space<hbm>>
        tpu.enqueue_dma source(%arg8 : memref<16x256xf32, #tpu.memory_space<vmem>>) target(%dma_start3A_126 : memref<16x256xf32, #tpu.memory_space<hbm>>) target_semaphore(%run_scoped3A : memref<!tpu.dma_semaphore, #tpu.memory_space<semaphore_mem>>)
        %dma_wait3A_127 = arith.constant 0 : i32
        %dma_wait3A_128 = tpu.memref_slice %arg5[%dma_wait3A_127, %add3A_90] : memref<16x262144xf32, #tpu.memory_space<hbm>> -> memref<16x256xf32, #tpu.memory_space<hbm>>
        %dma_wait3A_129 = arith.constant 0 : i32
        %dma_wait3A_130 = tpu.memref_slice %arg5[%dma_wait3A_129, %add3A_90] : memref<16x262144xf32, #tpu.memory_space<hbm>> -> memref<16x256xf32, #tpu.memory_space<hbm>>
        tpu.wait_dma2 semaphore(%run_scoped3A : memref<!tpu.dma_semaphore, #tpu.memory_space<semaphore_mem>>) src(%arg8 : memref<16x256xf32, #tpu.memory_space<vmem>>) dst(%dma_wait3A_130 : memref<16x256xf32, #tpu.memory_space<hbm>>)
        tpu.yield
      }) : () -> ()
      %add3A_91 = arith.constant 2 : i32
      %add3A_92 = arith.addi %mul3A_48, %add3A_91 : i32
      %lt3A = arith.constant 32 : i32
      %lt3A_93 = arith.cmpi slt, %add3A_92, %lt3A : i32
      %convert_element_type3A = arith.extui %lt3A_93 : i1 to i32
      %cond3A = arith.constant 0 : i32
      %cond3A_94 = arith.cmpi ne, %convert_element_type3A, %cond3A : i32
      scf.if %cond3A_94 {
        %add3A_123 = arith.constant 2 : i32
        %add3A_124 = arith.addi %mul3A_48, %add3A_123 : i32
        %mul3A_125 = arith.constant 256 : i32
        %mul3A_126 = arith.muli %add3A_124, %mul3A_125 : i32
        %add3A_127 = arith.addi %mul3A_26, %mul3A_126 : i32
        %dma_start3A_128 = arith.constant 0 : i32
        %dma_start3A_129 = arith.constant 0 : i32
        %dma_start3A_130 = arith.constant 0 : i32
        %dma_start3A_131 = tpu.memref_slice %arg6[%dma_start3A_128, %dma_start3A_129, %dma_start3A_130] : memref<2x128x256xf32, #tpu.memory_space<vmem>> -> memref<1x128x256xf32, #tpu.memory_space<vmem>>
        %dma_start3A_132 = tpu.memref_squeeze %dma_start3A_131 : memref<1x128x256xf32, #tpu.memory_space<vmem>> -> memref<128x256xf32, #tpu.memory_space<vmem>>
        %dma_start3A_133 = arith.constant 0 : i32
        %dma_start3A_134 = tpu.memref_slice %arg2[%dma_start3A_133, %add3A_127] : memref<128x262144xf32, #tpu.memory_space<hbm>> -> memref<128x256xf32, #tpu.memory_space<hbm>>
        %dma_start3A_135 = arith.constant 0 : i32
        %dma_start3A_136 = arith.constant 0 : i32
        %dma_start3A_137 = tpu.memref_slice %arg6[%dma_start3A_128, %dma_start3A_135, %dma_start3A_136] : memref<2x128x256xf32, #tpu.memory_space<vmem>> -> memref<1x128x256xf32, #tpu.memory_space<vmem>>
        %dma_start3A_138 = tpu.memref_squeeze %dma_start3A_137 : memref<1x128x256xf32, #tpu.memory_space<vmem>> -> memref<128x256xf32, #tpu.memory_space<vmem>>
        %dma_start3A_139 = arith.constant 0 : i32
        %dma_start3A_140 = tpu.memref_slice %arg2[%dma_start3A_139, %add3A_127] : memref<128x262144xf32, #tpu.memory_space<hbm>> -> memref<128x256xf32, #tpu.memory_space<hbm>>
        tpu.enqueue_dma source(%dma_start3A_140 : memref<128x256xf32, #tpu.memory_space<hbm>>) target(%dma_start3A_138 : memref<128x256xf32, #tpu.memory_space<vmem>>) target_semaphore(%arg10 : memref<!tpu.dma_semaphore, #tpu.memory_space<semaphore_mem>>)
      } else {
      }
      %add3A_95 = arith.constant 1 : i32
      %add3A_96 = arith.addi %mul3A_48, %add3A_95 : i32
      %mul3A_97 = arith.constant 256 : i32
      %mul3A_98 = arith.muli %add3A_96, %mul3A_97 : i32
      %add3A_99 = arith.addi %mul3A_26, %mul3A_98 : i32
      %dma_wait3A_100 = arith.constant 1 : i32
      %dma_wait3A_101 = arith.constant 0 : i32
      %dma_wait3A_102 = arith.constant 0 : i32
      %dma_wait3A_103 = tpu.memref_slice %arg6[%dma_wait3A_100, %dma_wait3A_101, %dma_wait3A_102] : memref<2x128x256xf32, #tpu.memory_space<vmem>> -> memref<1x128x256xf32, #tpu.memory_space<vmem>>
      %dma_wait3A_104 = tpu.memref_squeeze %dma_wait3A_103 : memref<1x128x256xf32, #tpu.memory_space<vmem>> -> memref<128x256xf32, #tpu.memory_space<vmem>>
      %dma_wait3A_105 = arith.constant 0 : i32
      %dma_wait3A_106 = tpu.memref_slice %arg2[%dma_wait3A_105, %add3A_99] : memref<128x262144xf32, #tpu.memory_space<hbm>> -> memref<128x256xf32, #tpu.memory_space<hbm>>
      %dma_wait3A_107 = arith.constant 0 : i32
      %dma_wait3A_108 = arith.constant 0 : i32
      %dma_wait3A_109 = tpu.memref_slice %arg6[%dma_wait3A_100, %dma_wait3A_107, %dma_wait3A_108] : memref<2x128x256xf32, #tpu.memory_space<vmem>> -> memref<1x128x256xf32, #tpu.memory_space<vmem>>
      %dma_wait3A_110 = tpu.memref_squeeze %dma_wait3A_109 : memref<1x128x256xf32, #tpu.memory_space<vmem>> -> memref<128x256xf32, #tpu.memory_space<vmem>>
      %dma_wait3A_111 = arith.constant 0 : i32
      %dma_wait3A_112 = tpu.memref_slice %arg2[%dma_wait3A_111, %add3A_99] : memref<128x262144xf32, #tpu.memory_space<hbm>> -> memref<128x256xf32, #tpu.memory_space<hbm>>
      tpu.wait_dma2 semaphore(%arg11 : memref<!tpu.dma_semaphore, #tpu.memory_space<semaphore_mem>>) src(%dma_wait3A_112 : memref<128x256xf32, #tpu.memory_space<hbm>>) dst(%dma_wait3A_110 : memref<128x256xf32, #tpu.memory_space<vmem>>)
      %parallel_loop3A_113 = arith.constant 0 : i32
      %parallel_loop3A_114 = arith.constant 256 : i32
      %parallel_loop3A_115 = arith.constant 1 : i32
      %parallel_loop3A_116 = arith.constant 1 : i32
      scf.for %parallel_loop3A_123 = %parallel_loop3A_113 to %parallel_loop3A_114 step %parallel_loop3A_115  : i32 {
        %parallel_loop3A_124 = vector.broadcast %parallel_loop3A_123 : i32 to vector<16xi32>
        %parallel_loop3A_125 = arith.constant 0 : i32
        %parallel_loop3A_126 = arith.constant 0 : i32
        %parallel_loop3A_127 = tpu.memref_slice %arg6[%parallel_loop3A_116, %parallel_loop3A_125, %parallel_loop3A_126] : memref<2x128x256xf32, #tpu.memory_space<vmem>> -> memref<1x128x256xf32, #tpu.memory_space<vmem>>
        %parallel_loop3A_128 = tpu.memref_squeeze %parallel_loop3A_127 : memref<1x128x256xf32, #tpu.memory_space<vmem>> -> memref<128x256xf32, #tpu.memory_space<vmem>>
        %parallel_loop3A_129 = tpu.vector_load_idx %parallel_loop3A_128[%add3A_3, %parallel_loop3A_124] : memref<128x256xf32, #tpu.memory_space<vmem>>[vector<16xi32>, vector<16xi32>], vector<16xf32>,
        %parallel_loop3A_130 = arith.constant 0 : i32
        %parallel_loop3A_131 = arith.constant 0 : i32
        %parallel_loop3A_132 = tpu.memref_slice %arg6[%parallel_loop3A_116, %parallel_loop3A_130, %parallel_loop3A_131] : memref<2x128x256xf32, #tpu.memory_space<vmem>> -> memref<1x128x256xf32, #tpu.memory_space<vmem>>
        %parallel_loop3A_133 = tpu.memref_squeeze %parallel_loop3A_132 : memref<1x128x256xf32, #tpu.memory_space<vmem>> -> memref<128x256xf32, #tpu.memory_space<vmem>>
        %parallel_loop3A_134 = tpu.vector_load_idx %parallel_loop3A_133[%add3A_6, %parallel_loop3A_124] : memref<128x256xf32, #tpu.memory_space<vmem>>[vector<16xi32>, vector<16xi32>], vector<16xf32>,
        %parallel_loop3A_135 = arith.constant 0 : i32
        %parallel_loop3A_136 = arith.constant 0 : i32
        %parallel_loop3A_137 = tpu.memref_slice %arg6[%parallel_loop3A_116, %parallel_loop3A_135, %parallel_loop3A_136] : memref<2x128x256xf32, #tpu.memory_space<vmem>> -> memref<1x128x256xf32, #tpu.memory_space<vmem>>
        %parallel_loop3A_138 = tpu.memref_squeeze %parallel_loop3A_137 : memref<1x128x256xf32, #tpu.memory_space<vmem>> -> memref<128x256xf32, #tpu.memory_space<vmem>>
        %parallel_loop3A_139 = tpu.vector_load_idx %parallel_loop3A_138[%add3A_9, %parallel_loop3A_124] : memref<128x256xf32, #tpu.memory_space<vmem>>[vector<16xi32>, vector<16xi32>], vector<16xf32>,
        %parallel_loop3A_140 = arith.constant 0 : i32
        %parallel_loop3A_141 = arith.constant 0 : i32
        %parallel_loop3A_142 = tpu.memref_slice %arg6[%parallel_loop3A_116, %parallel_loop3A_140, %parallel_loop3A_141] : memref<2x128x256xf32, #tpu.memory_space<vmem>> -> memref<1x128x256xf32, #tpu.memory_space<vmem>>
        %parallel_loop3A_143 = tpu.memref_squeeze %parallel_loop3A_142 : memref<1x128x256xf32, #tpu.memory_space<vmem>> -> memref<128x256xf32, #tpu.memory_space<vmem>>
        %parallel_loop3A_144 = tpu.vector_load_idx %parallel_loop3A_143[%add3A_12, %parallel_loop3A_124] : memref<128x256xf32, #tpu.memory_space<vmem>>[vector<16xi32>, vector<16xi32>], vector<16xf32>,
        %parallel_loop3A_145 = arith.constant 0 : i32
        %parallel_loop3A_146 = arith.constant 0 : i32
        %parallel_loop3A_147 = tpu.memref_slice %arg6[%parallel_loop3A_116, %parallel_loop3A_145, %parallel_loop3A_146] : memref<2x128x256xf32, #tpu.memory_space<vmem>> -> memref<1x128x256xf32, #tpu.memory_space<vmem>>
        %parallel_loop3A_148 = tpu.memref_squeeze %parallel_loop3A_147 : memref<1x128x256xf32, #tpu.memory_space<vmem>> -> memref<128x256xf32, #tpu.memory_space<vmem>>
        %parallel_loop3A_149 = tpu.vector_load_idx %parallel_loop3A_148[%add3A_15, %parallel_loop3A_124] : memref<128x256xf32, #tpu.memory_space<vmem>>[vector<16xi32>, vector<16xi32>], vector<16xf32>,
        %parallel_loop3A_150 = arith.constant 0 : i32
        %parallel_loop3A_151 = arith.constant 0 : i32
        %parallel_loop3A_152 = tpu.memref_slice %arg6[%parallel_loop3A_116, %parallel_loop3A_150, %parallel_loop3A_151] : memref<2x128x256xf32, #tpu.memory_space<vmem>> -> memref<1x128x256xf32, #tpu.memory_space<vmem>>
        %parallel_loop3A_153 = tpu.memref_squeeze %parallel_loop3A_152 : memref<1x128x256xf32, #tpu.memory_space<vmem>> -> memref<128x256xf32, #tpu.memory_space<vmem>>
        %parallel_loop3A_154 = tpu.vector_load_idx %parallel_loop3A_153[%add3A_18, %parallel_loop3A_124] : memref<128x256xf32, #tpu.memory_space<vmem>>[vector<16xi32>, vector<16xi32>], vector<16xf32>,
        %parallel_loop3A_155 = arith.constant 0 : i32
        %parallel_loop3A_156 = arith.constant 0 : i32
        %parallel_loop3A_157 = tpu.memref_slice %arg6[%parallel_loop3A_116, %parallel_loop3A_155, %parallel_loop3A_156] : memref<2x128x256xf32, #tpu.memory_space<vmem>> -> memref<1x128x256xf32, #tpu.memory_space<vmem>>
        %parallel_loop3A_158 = tpu.memref_squeeze %parallel_loop3A_157 : memref<1x128x256xf32, #tpu.memory_space<vmem>> -> memref<128x256xf32, #tpu.memory_space<vmem>>
        %parallel_loop3A_159 = tpu.vector_load_idx %parallel_loop3A_158[%add3A_21, %parallel_loop3A_124] : memref<128x256xf32, #tpu.memory_space<vmem>>[vector<16xi32>, vector<16xi32>], vector<16xf32>,
        %parallel_loop3A_160 = arith.constant 0 : i32
        %parallel_loop3A_161 = arith.constant 0 : i32
        %parallel_loop3A_162 = tpu.memref_slice %arg6[%parallel_loop3A_116, %parallel_loop3A_160, %parallel_loop3A_161] : memref<2x128x256xf32, #tpu.memory_space<vmem>> -> memref<1x128x256xf32, #tpu.memory_space<vmem>>
        %parallel_loop3A_163 = tpu.memref_squeeze %parallel_loop3A_162 : memref<1x128x256xf32, #tpu.memory_space<vmem>> -> memref<128x256xf32, #tpu.memory_space<vmem>>
        %parallel_loop3A_164 = tpu.vector_load_idx %parallel_loop3A_163[%add3A_24, %parallel_loop3A_124] : memref<128x256xf32, #tpu.memory_space<vmem>>[vector<16xi32>, vector<16xi32>], vector<16xf32>,
        %parallel_loop3A_165 = vector.bitcast %parallel_loop3A_129 : vector<16xf32> to vector<16xi32>
        %parallel_loop3A_166 = arith.constant -128 : i32
        %parallel_loop3A_167 = vector.broadcast %parallel_loop3A_166 : i32 to vector<16xi32>
        %parallel_loop3A_168 = arith.andi %parallel_loop3A_165, %parallel_loop3A_167 : vector<16xi32>
        %parallel_loop3A_169 = arith.ori %parallel_loop3A_168, %add3A_3 : vector<16xi32>
        %parallel_loop3A_170 = arith.constant dense<true> : vector<16xi1>
        %parallel_loop3A_171, %parallel_loop3A_172, %parallel_loop3A_173 = tpu.sort %parallel_loop3A_169, %parallel_loop3A_169 masked %parallel_loop3A_170 : (vector<16xi32>, vector<16xi32>, vector<16xi1>) -> (vector<16xi1>, vector<16xi32>, vector<16xi32>)
        %parallel_loop3A_174 = vector.bitcast %parallel_loop3A_134 : vector<16xf32> to vector<16xi32>
        %parallel_loop3A_175 = arith.constant -128 : i32
        %parallel_loop3A_176 = vector.broadcast %parallel_loop3A_175 : i32 to vector<16xi32>
        %parallel_loop3A_177 = arith.andi %parallel_loop3A_174, %parallel_loop3A_176 : vector<16xi32>
        %parallel_loop3A_178 = arith.ori %parallel_loop3A_177, %add3A_6 : vector<16xi32>
        %parallel_loop3A_179 = arith.constant dense<true> : vector<16xi1>
        %parallel_loop3A_180, %parallel_loop3A_181, %parallel_loop3A_182 = tpu.sort %parallel_loop3A_178, %parallel_loop3A_178 masked %parallel_loop3A_179 {descending = true} : (vector<16xi32>, vector<16xi32>, vector<16xi1>) -> (vector<16xi1>, vector<16xi32>, vector<16xi32>)
        %parallel_loop3A_183 = vector.bitcast %parallel_loop3A_139 : vector<16xf32> to vector<16xi32>
        %parallel_loop3A_184 = arith.constant -128 : i32
        %parallel_loop3A_185 = vector.broadcast %parallel_loop3A_184 : i32 to vector<16xi32>
        %parallel_loop3A_186 = arith.andi %parallel_loop3A_183, %parallel_loop3A_185 : vector<16xi32>
        %parallel_loop3A_187 = arith.ori %parallel_loop3A_186, %add3A_9 : vector<16xi32>
        %parallel_loop3A_188 = arith.constant dense<true> : vector<16xi1>
        %parallel_loop3A_189, %parallel_loop3A_190, %parallel_loop3A_191 = tpu.sort %parallel_loop3A_187, %parallel_loop3A_187 masked %parallel_loop3A_188 : (vector<16xi32>, vector<16xi32>, vector<16xi1>) -> (vector<16xi1>, vector<16xi32>, vector<16xi32>)
        %parallel_loop3A_192 = vector.bitcast %parallel_loop3A_144 : vector<16xf32> to vector<16xi32>
        %parallel_loop3A_193 = arith.constant -128 : i32
        %parallel_loop3A_194 = vector.broadcast %parallel_loop3A_193 : i32 to vector<16xi32>
        %parallel_loop3A_195 = arith.andi %parallel_loop3A_192, %parallel_loop3A_194 : vector<16xi32>
        %parallel_loop3A_196 = arith.ori %parallel_loop3A_195, %add3A_12 : vector<16xi32>
        %parallel_loop3A_197 = arith.constant dense<true> : vector<16xi1>
        %parallel_loop3A_198, %parallel_loop3A_199, %parallel_loop3A_200 = tpu.sort %parallel_loop3A_196, %parallel_loop3A_196 masked %parallel_loop3A_197 {descending = true} : (vector<16xi32>, vector<16xi32>, vector<16xi1>) -> (vector<16xi1>, vector<16xi32>, vector<16xi32>)
        %parallel_loop3A_201 = vector.bitcast %parallel_loop3A_149 : vector<16xf32> to vector<16xi32>
        %parallel_loop3A_202 = arith.constant -128 : i32
        %parallel_loop3A_203 = vector.broadcast %parallel_loop3A_202 : i32 to vector<16xi32>
        %parallel_loop3A_204 = arith.andi %parallel_loop3A_201, %parallel_loop3A_203 : vector<16xi32>
        %parallel_loop3A_205 = arith.ori %parallel_loop3A_204, %add3A_15 : vector<16xi32>
        %parallel_loop3A_206 = arith.constant dense<true> : vector<16xi1>
        %parallel_loop3A_207, %parallel_loop3A_208, %parallel_loop3A_209 = tpu.sort %parallel_loop3A_205, %parallel_loop3A_205 masked %parallel_loop3A_206 : (vector<16xi32>, vector<16xi32>, vector<16xi1>) -> (vector<16xi1>, vector<16xi32>, vector<16xi32>)
        %parallel_loop3A_210 = vector.bitcast %parallel_loop3A_154 : vector<16xf32> to vector<16xi32>
        %parallel_loop3A_211 = arith.constant -128 : i32
        %parallel_loop3A_212 = vector.broadcast %parallel_loop3A_211 : i32 to vector<16xi32>
        %parallel_loop3A_213 = arith.andi %parallel_loop3A_210, %parallel_loop3A_212 : vector<16xi32>
        %parallel_loop3A_214 = arith.ori %parallel_loop3A_213, %add3A_18 : vector<16xi32>
        %parallel_loop3A_215 = arith.constant dense<true> : vector<16xi1>
        %parallel_loop3A_216, %parallel_loop3A_217, %parallel_loop3A_218 = tpu.sort %parallel_loop3A_214, %parallel_loop3A_214 masked %parallel_loop3A_215 {descending = true} : (vector<16xi32>, vector<16xi32>, vector<16xi1>) -> (vector<16xi1>, vector<16xi32>, vector<16xi32>)
        %parallel_loop3A_219 = vector.bitcast %parallel_loop3A_159 : vector<16xf32> to vector<16xi32>
        %parallel_loop3A_220 = arith.constant -128 : i32
        %parallel_loop3A_221 = vector.broadcast %parallel_loop3A_220 : i32 to vector<16xi32>
        %parallel_loop3A_222 = arith.andi %parallel_loop3A_219, %parallel_loop3A_221 : vector<16xi32>
        %parallel_loop3A_223 = arith.ori %parallel_loop3A_222, %add3A_21 : vector<16xi32>
        %parallel_loop3A_224 = arith.constant dense<true> : vector<16xi1>
        %parallel_loop3A_225, %parallel_loop3A_226, %parallel_loop3A_227 = tpu.sort %parallel_loop3A_223, %parallel_loop3A_223 masked %parallel_loop3A_224 : (vector<16xi32>, vector<16xi32>, vector<16xi1>) -> (vector<16xi1>, vector<16xi32>, vector<16xi32>)
        %parallel_loop3A_228 = vector.bitcast %parallel_loop3A_164 : vector<16xf32> to vector<16xi32>
        %parallel_loop3A_229 = arith.constant -128 : i32
        %parallel_loop3A_230 = vector.broadcast %parallel_loop3A_229 : i32 to vector<16xi32>
        %parallel_loop3A_231 = arith.andi %parallel_loop3A_228, %parallel_loop3A_230 : vector<16xi32>
        %parallel_loop3A_232 = arith.ori %parallel_loop3A_231, %add3A_24 : vector<16xi32>
        %parallel_loop3A_233 = arith.constant dense<true> : vector<16xi1>
        %parallel_loop3A_234, %parallel_loop3A_235, %parallel_loop3A_236 = tpu.sort %parallel_loop3A_232, %parallel_loop3A_232 masked %parallel_loop3A_233 {descending = true} : (vector<16xi32>, vector<16xi32>, vector<16xi1>) -> (vector<16xi1>, vector<16xi32>, vector<16xi32>)
        %parallel_loop3A_237 = arith.minui %parallel_loop3A_172, %parallel_loop3A_181 : vector<16xi32>
        %parallel_loop3A_238 = arith.constant dense<true> : vector<16xi1>
        %parallel_loop3A_239, %parallel_loop3A_240, %parallel_loop3A_241 = tpu.sort %parallel_loop3A_237, %parallel_loop3A_237 masked %parallel_loop3A_238 : (vector<16xi32>, vector<16xi32>, vector<16xi1>) -> (vector<16xi1>, vector<16xi32>, vector<16xi32>)
        %parallel_loop3A_242 = arith.minui %parallel_loop3A_190, %parallel_loop3A_199 : vector<16xi32>
        %parallel_loop3A_243 = arith.constant dense<true> : vector<16xi1>
        %parallel_loop3A_244, %parallel_loop3A_245, %parallel_loop3A_246 = tpu.sort %parallel_loop3A_242, %parallel_loop3A_242 masked %parallel_loop3A_243 {descending = true} : (vector<16xi32>, vector<16xi32>, vector<16xi1>) -> (vector<16xi1>, vector<16xi32>, vector<16xi32>)
        %parallel_loop3A_247 = arith.minui %parallel_loop3A_208, %parallel_loop3A_217 : vector<16xi32>
        %parallel_loop3A_248 = arith.constant dense<true> : vector<16xi1>
        %parallel_loop3A_249, %parallel_loop3A_250, %parallel_loop3A_251 = tpu.sort %parallel_loop3A_247, %parallel_loop3A_247 masked %parallel_loop3A_248 : (vector<16xi32>, vector<16xi32>, vector<16xi1>) -> (vector<16xi1>, vector<16xi32>, vector<16xi32>)
        %parallel_loop3A_252 = arith.minui %parallel_loop3A_226, %parallel_loop3A_235 : vector<16xi32>
        %parallel_loop3A_253 = arith.constant dense<true> : vector<16xi1>
        %parallel_loop3A_254, %parallel_loop3A_255, %parallel_loop3A_256 = tpu.sort %parallel_loop3A_252, %parallel_loop3A_252 masked %parallel_loop3A_253 {descending = true} : (vector<16xi32>, vector<16xi32>, vector<16xi1>) -> (vector<16xi1>, vector<16xi32>, vector<16xi32>)
        %parallel_loop3A_257 = arith.minui %parallel_loop3A_240, %parallel_loop3A_245 : vector<16xi32>
        %parallel_loop3A_258 = arith.constant dense<true> : vector<16xi1>
        %parallel_loop3A_259, %parallel_loop3A_260, %parallel_loop3A_261 = tpu.sort %parallel_loop3A_257, %parallel_loop3A_257 masked %parallel_loop3A_258 : (vector<16xi32>, vector<16xi32>, vector<16xi1>) -> (vector<16xi1>, vector<16xi32>, vector<16xi32>)
        %parallel_loop3A_262 = arith.minui %parallel_loop3A_250, %parallel_loop3A_255 : vector<16xi32>
        %parallel_loop3A_263 = arith.constant dense<true> : vector<16xi1>
        %parallel_loop3A_264, %parallel_loop3A_265, %parallel_loop3A_266 = tpu.sort %parallel_loop3A_262, %parallel_loop3A_262 masked %parallel_loop3A_263 {descending = true} : (vector<16xi32>, vector<16xi32>, vector<16xi1>) -> (vector<16xi1>, vector<16xi32>, vector<16xi32>)
        %parallel_loop3A_267 = arith.minui %parallel_loop3A_260, %parallel_loop3A_265 : vector<16xi32>
        %parallel_loop3A_268 = vector.bitcast %parallel_loop3A_267 : vector<16xi32> to vector<16xf32>
        %parallel_loop3A_269 = arith.constant 127 : i32
        %parallel_loop3A_270 = vector.broadcast %parallel_loop3A_269 : i32 to vector<16xi32>
        %parallel_loop3A_271 = arith.andi %parallel_loop3A_267, %parallel_loop3A_270 : vector<16xi32>
        %parallel_loop3A_272 = tpu.vector_load_idx %arg9[%parallel_loop3A_271] : memref<128xf32, #tpu.memory_space<vmem>>[vector<16xi32>], vector<16xf32>,
        tpu.vector_store_idx %arg7[%iota3A, %parallel_loop3A_124], %parallel_loop3A_268 : memref<16x256xf32, #tpu.memory_space<vmem>>[vector<16xi32>, vector<16xi32>], vector<16xf32>,
        tpu.vector_store_idx %arg8[%iota3A, %parallel_loop3A_124], %parallel_loop3A_272 : memref<16x256xf32, #tpu.memory_space<vmem>>[vector<16xi32>, vector<16xi32>], vector<16xf32>,
      } {sc.loop_unroll_factor = 4 : i64, sc.parallel_access}
      %mul3A_117 = arith.constant 256 : i32
      %mul3A_118 = arith.muli %add3A_96, %mul3A_117 : i32
      %add3A_119 = arith.addi %mul3A_26, %mul3A_118 : i32
      "tpu.region"() ({
        %run_scoped3A = tpu.sem_alloc : memref<!tpu.dma_semaphore, #tpu.memory_space<semaphore_mem>>
        %dma_start3A_123 = arith.constant 0 : i32
        %dma_start3A_124 = tpu.memref_slice %arg4[%dma_start3A_123, %add3A_119] : memref<16x262144xf32, #tpu.memory_space<hbm>> -> memref<16x256xf32, #tpu.memory_space<hbm>>
        %dma_start3A_125 = arith.constant 0 : i32
        %dma_start3A_126 = tpu.memref_slice %arg4[%dma_start3A_125, %add3A_119] : memref<16x262144xf32, #tpu.memory_space<hbm>> -> memref<16x256xf32, #tpu.memory_space<hbm>>
        tpu.enqueue_dma source(%arg7 : memref<16x256xf32, #tpu.memory_space<vmem>>) target(%dma_start3A_126 : memref<16x256xf32, #tpu.memory_space<hbm>>) target_semaphore(%run_scoped3A : memref<!tpu.dma_semaphore, #tpu.memory_space<semaphore_mem>>)
        %dma_wait3A_127 = arith.constant 0 : i32
        %dma_wait3A_128 = tpu.memref_slice %arg4[%dma_wait3A_127, %add3A_119] : memref<16x262144xf32, #tpu.memory_space<hbm>> -> memref<16x256xf32, #tpu.memory_space<hbm>>
        %dma_wait3A_129 = arith.constant 0 : i32
        %dma_wait3A_130 = tpu.memref_slice %arg4[%dma_wait3A_129, %add3A_119] : memref<16x262144xf32, #tpu.memory_space<hbm>> -> memref<16x256xf32, #tpu.memory_space<hbm>>
        tpu.wait_dma2 semaphore(%run_scoped3A : memref<!tpu.dma_semaphore, #tpu.memory_space<semaphore_mem>>) src(%arg7 : memref<16x256xf32, #tpu.memory_space<vmem>>) dst(%dma_wait3A_130 : memref<16x256xf32, #tpu.memory_space<hbm>>)
        tpu.yield
      }) : () -> ()
      %mul3A_120 = arith.constant 256 : i32
      %mul3A_121 = arith.muli %add3A_96, %mul3A_120 : i32
      %add3A_122 = arith.addi %mul3A_26, %mul3A_121 : i32
      "tpu.region"() ({
        %run_scoped3A = tpu.sem_alloc : memref<!tpu.dma_semaphore, #tpu.memory_space<semaphore_mem>>
        %dma_start3A_123 = arith.constant 0 : i32
        %dma_start3A_124 = tpu.memref_slice %arg5[%dma_start3A_123, %add3A_122] : memref<16x262144xf32, #tpu.memory_space<hbm>> -> memref<16x256xf32, #tpu.memory_space<hbm>>
        %dma_start3A_125 = arith.constant 0 : i32
        %dma_start3A_126 = tpu.memref_slice %arg5[%dma_start3A_125, %add3A_122] : memref<16x262144xf32, #tpu.memory_space<hbm>> -> memref<16x256xf32, #tpu.memory_space<hbm>>
        tpu.enqueue_dma source(%arg8 : memref<16x256xf32, #tpu.memory_space<vmem>>) target(%dma_start3A_126 : memref<16x256xf32, #tpu.memory_space<hbm>>) target_semaphore(%run_scoped3A : memref<!tpu.dma_semaphore, #tpu.memory_space<semaphore_mem>>)
        %dma_wait3A_127 = arith.constant 0 : i32
        %dma_wait3A_128 = tpu.memref_slice %arg5[%dma_wait3A_127, %add3A_122] : memref<16x262144xf32, #tpu.memory_space<hbm>> -> memref<16x256xf32, #tpu.memory_space<hbm>>
        %dma_wait3A_129 = arith.constant 0 : i32
        %dma_wait3A_130 = tpu.memref_slice %arg5[%dma_wait3A_129, %add3A_122] : memref<16x262144xf32, #tpu.memory_space<hbm>> -> memref<16x256xf32, #tpu.memory_space<hbm>>
        tpu.wait_dma2 semaphore(%run_scoped3A : memref<!tpu.dma_semaphore, #tpu.memory_space<semaphore_mem>>) src(%arg8 : memref<16x256xf32, #tpu.memory_space<vmem>>) dst(%dma_wait3A_130 : memref<16x256xf32, #tpu.memory_space<hbm>>)
        tpu.yield
      }) : () -> ()
    }
    %scan3A_45 = arith.constant 16 : i32
    return
  }
}

module attributes {stable_mosaic.version = 14 : i64} {
  func.func @body(%arg0: i32, %arg1: memref<128x4096xf32, #tpu.memory_space<vmem>>, %arg2: memref<1x4096xf32, #tpu.memory_space<vmem>>) attributes {dimension_semantics = [#tpu.dimension_semantics<arbitrary>], iteration_bounds = array<i64: 64>, scalar_prefetch = 0 : i64, scratch_operands = 0 : i64, tpu.core_type = #tpu.core_type<tc>, window_params = [{transform_indices = @transform_0, window_bounds = array<i64: 128, 4096>}, {transform_indices = @transform_1, window_bounds = array<i64: 1, 4096>}]} {
    %get3A = arith.constant 0 : index
    %get3A_0 = arith.constant 0 : index
    %get3A_1 = vector.load %arg1[%get3A, %get3A_0] : memref<128x4096xf32, #tpu.memory_space<vmem>>, vector<128x4096xf32>
    %mul3A = arith.mulf %get3A_1, %get3A_1 : vector<128x4096xf32>
    %reduce_sum3A = arith.constant dense<0.000000e+00> : vector<4096xf32>
    %reduce_sum3A_2 = vector.multi_reduction <add>, %mul3A, %reduce_sum3A [0] : vector<128x4096xf32> to vector<4096xf32>
    %broadcast_in_dim3A = vector.shape_cast %reduce_sum3A_2 : vector<4096xf32> to vector<1x4096xf32>
    %sqrt3A = math.sqrt %broadcast_in_dim3A : vector<1x4096xf32>
    %max3A = arith.constant 9.99999996E-13 : f32
    %max3A_3 = vector.broadcast %max3A : f32 to vector<1x4096xf32>
    %max3A_4 = arith.maximumf %sqrt3A, %max3A_3 : vector<1x4096xf32>
    %div3A = arith.constant 1.000000e+00 : f32
    %div3A_5 = vector.broadcast %div3A : f32 to vector<1x4096xf32>
    %div3A_6 = arith.divf %div3A_5, %max3A_4 : vector<1x4096xf32>
    %swap3A = arith.constant 0 : index
    %swap3A_7 = arith.constant 0 : index
    %swap3A_8 = vector.load %arg2[%swap3A, %swap3A_7] : memref<1x4096xf32, #tpu.memory_space<vmem>>, vector<1x4096xf32>
    tpu.vector_store %arg2[%swap3A, %swap3A_7], %div3A_6 {strides = array<i32>} : memref<1x4096xf32, #tpu.memory_space<vmem>>, vector<1x4096xf32>,
    return
  }
  func.func @transform_0(%arg0: i32) -> (i32, i32) {
    %c0_i32 = arith.constant 0 : i32
    %c0_i32_0 = arith.constant 0 : i32
    return %c0_i32, %arg0 : i32, i32
  }
  func.func @transform_1(%arg0: i32) -> (i32, i32) {
    %c0_i32 = arith.constant 0 : i32
    %c0_i32_0 = arith.constant 0 : i32
    return %c0_i32, %arg0 : i32, i32
  }
}

module attributes {stable_mosaic.version = 14 : i64} {
  func.func @body(%arg0: i32, %arg1: memref<16x8192xf32, #tpu.memory_space<vmem>>, %arg2: memref<16x8192xf32, #tpu.memory_space<vmem>>, %arg3: memref<1x8192xf32, #tpu.memory_space<vmem>>, %arg4: memref<1x8192xf32, #tpu.memory_space<vmem>>) attributes {dimension_semantics = [#tpu.dimension_semantics<arbitrary>], iteration_bounds = array<i64: 32>, scalar_prefetch = 0 : i64, scratch_operands = 0 : i64, tpu.core_type = #tpu.core_type<tc>, window_params = [{transform_indices = @transform_0, window_bounds = array<i64: 16, 8192>}, {transform_indices = @transform_1, window_bounds = array<i64: 16, 8192>}, {transform_indices = @transform_2, window_bounds = array<i64: 1, 8192>}, {transform_indices = @transform_3, window_bounds = array<i64: 1, 8192>}]} {
    %get3A = arith.constant 0 : index
    %get3A_0 = arith.constant 0 : index
    %get3A_1 = vector.load %arg1[%get3A, %get3A_0] : memref<16x8192xf32, #tpu.memory_space<vmem>>, vector<16x8192xf32>
    %get3A_2 = arith.constant 0 : index
    %get3A_3 = arith.constant 0 : index
    %get3A_4 = vector.load %arg3[%get3A_2, %get3A_3] : memref<1x8192xf32, #tpu.memory_space<vmem>>, vector<1x8192xf32>
    %mul3A = vector.broadcast %get3A_4 : vector<1x8192xf32> to vector<16x8192xf32>
    %mul3A_5 = arith.mulf %get3A_1, %mul3A : vector<16x8192xf32>
    %add3A = arith.constant 1.000000e+00 : f32
    %add3A_6 = vector.broadcast %add3A : f32 to vector<16x8192xf32>
    %add3A_7 = arith.addf %mul3A_5, %add3A_6 : vector<16x8192xf32>
    %div3A = arith.constant 1.000000e+00 : f32
    %div3A_8 = vector.broadcast %div3A : f32 to vector<16x8192xf32>
    %div3A_9 = arith.divf %div3A_8, %add3A_7 : vector<16x8192xf32>
    %get3A_10 = arith.constant 0 : index
    %get3A_11 = arith.constant 0 : index
    %get3A_12 = vector.load %arg2[%get3A_10, %get3A_11] : memref<16x8192xf32, #tpu.memory_space<vmem>>, vector<16x8192xf32>
    %mul3A_13 = arith.mulf %div3A_9, %get3A_12 : vector<16x8192xf32>
    %reduce_sum3A = arith.constant dense<0.000000e+00> : vector<8192xf32>
    %reduce_sum3A_14 = vector.multi_reduction <add>, %mul3A_13, %reduce_sum3A [0] : vector<16x8192xf32> to vector<8192xf32>
    %broadcast_in_dim3A = vector.shape_cast %reduce_sum3A_14 : vector<8192xf32> to vector<1x8192xf32>
    %reduce_sum3A_15 = arith.constant dense<0.000000e+00> : vector<8192xf32>
    %reduce_sum3A_16 = vector.multi_reduction <add>, %div3A_9, %reduce_sum3A_15 [0] : vector<16x8192xf32> to vector<8192xf32>
    %broadcast_in_dim3A_17 = vector.shape_cast %reduce_sum3A_16 : vector<8192xf32> to vector<1x8192xf32>
    %div3A_18 = arith.divf %broadcast_in_dim3A, %broadcast_in_dim3A_17 : vector<1x8192xf32>
    %swap3A = arith.constant 0 : index
    %swap3A_19 = arith.constant 0 : index
    %swap3A_20 = vector.load %arg4[%swap3A, %swap3A_19] : memref<1x8192xf32, #tpu.memory_space<vmem>>, vector<1x8192xf32>
    tpu.vector_store %arg4[%swap3A, %swap3A_19], %div3A_18 {strides = array<i32>} : memref<1x8192xf32, #tpu.memory_space<vmem>>, vector<1x8192xf32>,
    return
  }
  func.func @transform_0(%arg0: i32) -> (i32, i32) {
    %c0_i32 = arith.constant 0 : i32
    %c0_i32_0 = arith.constant 0 : i32
    return %c0_i32, %arg0 : i32, i32
  }
  func.func @transform_1(%arg0: i32) -> (i32, i32) {
    %c0_i32 = arith.constant 0 : i32
    %c0_i32_0 = arith.constant 0 : i32
    return %c0_i32, %arg0 : i32, i32
  }
  func.func @transform_2(%arg0: i32) -> (i32, i32) {
    %c0_i32 = arith.constant 0 : i32
    %c0_i32_0 = arith.constant 0 : i32
    return %c0_i32, %arg0 : i32, i32
  }
  func.func @transform_3(%arg0: i32) -> (i32, i32) {
    %c0_i32 = arith.constant 0 : i32
    %c0_i32_0 = arith.constant 0 : i32
    return %c0_i32, %arg0 : i32, i32
  }
}

</mosaic_0001>

<sc_bundles>
// kernel: kernel.5.cloned.1.call-start
scs
__scs_entry_jumppad:
0x0: {  	(pc) =	sbr.rel $0x88, $3  }
0x1: {  	(tag) =	ssettag $0x0;
	lr =	simm.s32 $0x1  }
0x2: {  	[smem:$0x3F9F] =	sst lr;
	_ =	strace $0xD0000000  }
0x3: {  	_ = 	snop  }
0x4: {  	_ = 	snop  }
0x5: {  	_ = 	snop  }
0x6: {  	_ = 	snop  }
0x7: {  	_ = 	snop  }
__scs_overlays_trampoline_lowered:
0x8: {  	[smem:$0x3FAE] =	sst s0  }
0x9: {  	[smem:$0x3FAF] =	sst s1  }
0xa: {  	[smem:$0x3FB0] =	sst s2  }
0xb: {  	[smem:$0x3FB1] =	sst s3  }
0xc: {  	[smem:$0x3FB2] =	sst s4  }
0xd: {  	[smem:$0x3FB3] =	sst s5  }
0xe: {  	[smem:$0x3FB4] =	sst s6  }
0xf: {  	[smem:$0x3FB5] =	sst s7  }
0x10: {  	[smem:$0x3FB6] =	sst s8  }
0x11: {  	[smem:$0x3FB7] =	sst s9;
	s0 =	simm.s32 @!p0 $0x0  }
0x12: {  	s1 =	sld [smem:$0x3F9D];
	s0 =	simm.s32 @p0 $0x1  }
0x13: {  	[smem:$0x3FB8] =	sst s0;
	s0 =	simm.s32 @!p1 $0x0  }
0x14: {  	s2 =	sld [smem:$0x3F9C];
	s0 =	simm.s32 @p1 $0x1  }
0x15: {  	[smem:$0x3FB9] =	sst s0;
	s0 =	simm.s32 @!p2 $0x0  }
0x16: {  	s3 =	sld [smem:$0x3FDB];
	s0 =	simm.s32 @p2 $0x1  }
0x17: {  	s4 =	simm.s32 $0x1BF5;
	[smem:$0x3FBB] =	sst s0  }
0x18: {  	s0 =	sld [smem:$0x3F9E];
	_ =	swait.ge [sflag:s4], $0x0  }
0x19: {  	s7 =	sld [smem:$0x3F9F]  }
0x1a: {  	s8 =	sadd.s32 $0xFFFFE003, lr  }
0x1b: {  	s9 =	sadd.s32 $0xFFFFFEF7, lr;
	s5 =	simm.s32 $0xFFFFFFFF;
	p2 =	slt.u32 s8, $0xFFFFF086  }
0x1c: {  	p1 =	slt.u32 s9, $0xF7A;
	s5 =	simm.s32 @!p2 $0x0  }
0x1d: {  	s5 =	simm.s32 @p1 $0x1;
	p0 =	seq.s32 s7, s2  }
0x1e: {  	s7 =	smul.u32 @!p0 $0xF7A, s2;
	p2 =	seq.s32 @!p0 s5, $0x0  }
0x1f: {  	s9 =	smul.u32 $0xF7A, s1;
	s8 =	simm.s32 @!p0 $0x1BF5;
	p2 =	por !p2, p0  }
0x20: {  	[sflag:s8] =	ssyncset.s32 @!p0 $0xFFFFF086;
	s6 =	sadd.s32 @!p0 s3, s7;
	s7 =	simm.s32 @!p0 $0x108  }
0x21: {  	s3 =	sadd.s32 s3, s9;
	s6 =	sadd.s32 @!p0 $0x88, s6;
	s7 =	simm.s32 @p2 $0x1082  }
0x22: {  	[simem:s7], [sflag:s8] =	dma.local @!p0 [hbm:s6], $0xF7A  }
0x23: {  	s9 =	sor.u32 $0xD0000000, s2;
	s6 =	simm.s32 $0x108;
	_ =	swait.ge @!p0 [sflag:s8], $0x0  }
0x24: {  	s3 =	sadd.s32 $0x88, s3;
	s6 =	simm.s32 @!p1 $0x1082;
	[sflag:s4] =	ssyncset.s32 $0xFFFFF086  }
0x25: {  	[simem:s6], [sflag:s4] =	dma.local [hbm:s3], $0xF7A  }
0x26: {  	[smem:$0x3F9F] =	sst s1;
	(tag) =	ssettag s2;
	_ =	strace s9  }
0x27: {  	s1 =	sld [smem:$0x3FAF]  }
0x28: {  	s2 =	sld [smem:$0x3FB0]  }
0x29: {  	s4 =	sld [smem:$0x3FB2]  }
0x2a: {  	p0 =	seq.s32 s5, $0x0;
	s5 =	sld [smem:$0x3FB3]  }
0x2b: {  	s6 =	sld [smem:$0x3FB4]  }
0x2c: {  	s7 =	sld [smem:$0x3FB5]  }
0x2d: {  	s3 =	simm.s32 $0x108;
	s8 =	sld [smem:$0x3FB6]  }
0x2e: {  	s3 =	simm.s32 @!p0 $0x1082;
	s9 =	sld [smem:$0x3FB7]  }
0x2f: {  	lr =	sadd.s32 s0, s3;
	s0 =	sld [smem:$0x3FAE]  }
0x30: {  	s3 =	sld [smem:$0x3FB1]  }
0x31: {  	[smem:$0x3FBA] =	sst s10  }
0x32: {  	s10 =	sld [smem:$0x3FB8];
	_ =	sdelay $0x3  }
0x33: {  	p0 =	seq.s32 s10, $0x1;
	s10 =	sld [smem:$0x3FBA];
	_ =	sdelay $0x3  }
0x34: {  	[smem:$0x3FBA] =	sst s10  }
0x35: {  	s10 =	sld [smem:$0x3FB9];
	_ =	sdelay $0x3  }
0x36: {  	p1 =	seq.s32 s10, $0x1;
	s10 =	sld [smem:$0x3FBA];
	_ =	sdelay $0x3  }
0x37: {  	[smem:$0x3FBA] =	sst s10  }
0x38: {  	s10 =	sld [smem:$0x3FBB]  }
0x39: {  	_ = 	snop;
	(pc) =	sbr.ind lr, $3  }
0x3a: {  	_ = 	snop  }
0x3b: {  	_ = 	snop  }
0x3c: {  	p2 =	seq.s32 s10, $0x1;
	s10 =	sld [smem:$0x3FBA]  }
0x3d: {  	_ =	shalt  }
0x3e: {  	_ =	shalt  }
0x3f: {  	_ =	shalt  }
0x40: {  	_ =	shalt  }
0x41: {  	_ =	shalt  }
0x42: {  	_ =	shalt  }
0x43: {  	_ =	shalt  }
0x44: {  	_ =	shalt  }
0x45: {  	_ =	shalt  }
0x46: {  	_ =	shalt  }
0x47: {  	_ =	shalt  }
0x48: {  	_ =	shalt  }
0x49: {  	_ =	shalt  }
0x4a: {  	_ =	shalt  }
0x4b: {  	_ =	shalt  }
0x4c: {  	_ =	shalt  }
0x4d: {  	_ =	shalt  }
0x4e: {  	_ =	shalt  }
0x4f: {  	_ =	shalt  }
0x50: {  	_ =	shalt  }
0x51: {  	_ =	shalt  }
0x52: {  	_ =	shalt  }
0x53: {  	_ =	shalt  }
0x54: {  	_ =	shalt  }
0x55: {  	_ =	shalt  }
0x56: {  	_ =	shalt  }
0x57: {  	_ =	shalt  }
0x58: {  	_ =	shalt  }
0x59: {  	_ =	shalt  }
0x5a: {  	_ =	shalt  }
0x5b: {  	_ =	shalt  }
0x5c: {  	_ =	shalt  }
0x5d: {  	_ =	shalt  }
0x5e: {  	_ =	shalt  }
0x5f: {  	_ =	shalt  }
0x60: {  	_ =	shalt  }
0x61: {  	_ =	shalt  }
0x62: {  	_ =	shalt  }
0x63: {  	_ =	shalt  }
0x64: {  	_ =	shalt  }
0x65: {  	_ =	shalt  }
0x66: {  	_ =	shalt  }
0x67: {  	_ =	shalt  }
0x68: {  	_ =	shalt  }
0x69: {  	_ =	shalt  }
0x6a: {  	_ =	shalt  }
0x6b: {  	_ =	shalt  }
0x6c: {  	_ =	shalt  }
0x6d: {  	_ =	shalt  }
0x6e: {  	_ =	shalt  }
0x6f: {  	_ =	shalt  }
0x70: {  	_ =	shalt  }
0x71: {  	_ =	shalt  }
0x72: {  	_ =	shalt  }
0x73: {  	_ =	shalt  }
0x74: {  	_ =	shalt  }
0x75: {  	_ =	shalt  }
0x76: {  	_ =	shalt  }
0x77: {  	_ =	shalt  }
0x78: {  	_ =	shalt  }
0x79: {  	_ =	shalt  }
0x7a: {  	_ =	shalt  }
0x7b: {  	_ =	shalt  }
0x7c: {  	_ =	shalt  }
0x7d: {  	_ =	shalt  }
0x7e: {  	_ =	shalt  }
0x7f: {  	_ =	shalt  }
0x80: {  	_ =	shalt  }
0x81: {  	_ =	shalt  }
0x82: {  	_ =	shalt  }
0x83: {  	_ =	shalt  }
0x84: {  	_ =	shalt  }
0x85: {  	_ =	shalt  }
0x86: {  	_ =	shalt  }
0x87: {  	_ =	shalt  }
.Lfunc_end0:
.L_simem_size_0:
called_computation_lowered:
.L_overlay_start_0:
0x88: {  	s2 =	sld [smem:$0x3FD9]  }
0x89: {  	s3 =	sld [smem:$0x3FFE];
	_ =	sdelay $0x1  }
0x8a: {  	s1 =	srdreg.scid  }
0x8b: {  	s0 =	sand.u32 $0x1, s1  }
0x8c: {  	s17 =	sshll.u32 s0, $0xA;
	s2 =	sadd.s32 s3, s2  }
0x8d: {  	s2 =	sadd.s32 s2, s17  }
0x8e: {  	[smem:$0x3FC6] =	sst s2  }
0x8f: {  	_ = 	snop  }
0x90: {  	s2 =	sld [smem:$0x3FC9]  }
0x91: {  	s18 =	sld [smem:$0x3FC8];
	(tm) =	ssettm $0x1  }
0x92: {  	s4 =	sld [smem:$0x3FFB];
	_ =	sdelay $0x3  }
0x93: {  	_ =	strace s4  }
0x94: {  	s4 =	sld [smem:$0x3FFC];
	_ =	sdelay $0x3  }
0x95: {  	_ =	strace s4  }
0x96: {  	s4 =	sld [smem:$0x3FFD];
	_ =	sdelay $0x3  }
0x97: {  	_ =	strace s4  }
0x98: {  	_ =	strace $0x8FFFFFFF  }
0x99: {  	s19 =	sld [smem:$0x3FDB];
	_ =	sdelay $0x1  }
0x9a: {  	s5 =	simm.s32 $_scs_section_size  }
0x9b: {  	s6 =	simm.s32 $_size__tile_overlayer_lowered;
	s7 =	simm.s32 $_tile_overlayer_lowered  }
0x9c: {  	s22 =	simm.s32 $0x1BFF;
	s21 =	sshll.u32 s7, $0x1;
	s4 =	sadd.s32 s5, s19  }
0x9d: {  	s8 =	simm.s32 $0x0;
	s20 =	sshll.u32 s6, $0x1;
	s6 =	sadd.s32 s21, s4  }
0x9e: {  	[timem:s8], [sflag:s22] =	dma.local [hbm:s6], s20  }
0x9f: {  	_ =	swait.ge [sflag:s22], s20  }
0xa0: {  	s5 =	ssub.s32 $0x0, s20;
	[sflag:s22] =	ssyncset.done $0x0  }
0xa1: {  	[sflag:s22] =	ssyncadd.s32 s5;
	_ =	sdelay $0x1  }
0xa2: {  	s23 =	simm.s32 $0x1B8B  }
0xa3: {  	_ =	swait.ge [sflag:s23], $0x1  }
0xa4: {  	[sflag:s23] =	ssyncset.done $0x0  }
0xa5: {  	s25 =	simm.s32 $0x1B8E;
	s24 =	sld [smem:$0x3FFE];
	[sflag:s23] =	ssyncadd.s32 $0xFFFFFFFF  }
0xa6: {  	s26 =	simm.s32 $execute0_lowered;
	[smem:$0x3FD2] =	sst s25  }
0xa7: {  	s6 =	sshll.u32 s26, $0x1;
	_ =	strace $0x80000046;
	[dreg:$0x1] =	wrdreg $0xFFFFFFFF  }
0xa8: {  	s28 =	simm.s32 $_size_execute0_lowered;
	s4 =	sadd.s32 s4, s6;
	[dreg:$0x0] =	wrdreg $0x0  }
0xa9: {  	s6 =	sshll.u32 s28, $0x1;
	[dreg:$0x2] =	wrdreg s4  }
0xaa: {  	[dreg:$0x3] =	wrdreg s6  }
0xab: {  	[dreg:$0x4] =	wrdreg $0xC0  }
0xac: {  	_ =	task [dreg:s8], $0x5FFFF  }
0xad: {  	[dreg:$0x1] =	wrdreg $0xFFFFFFFF  }
0xae: {  	[dreg:$0x0] =	wrdreg $0x60  }
0xaf: {  	[dreg:$0x2] =	wrdreg s2  }
0xb0: {  	[dreg:$0x3] =	wrdreg s18  }
0xb1: {  	[dreg:$0x4] =	wrdreg s24  }
0xb2: {  	[dreg:$0x5] =	wrdreg $0x9  }
0xb3: {  	_ =	task.clear_ibuf [dreg:s8], $0x6FFFF;
	_ =	strace $0x90000046  }
0xb4: {  	s29 =	simm.s32 $0x9;
	_ =	strace $0x80000048  }
0xb5: {  	_ =	swait.ge [sflag:s29], $0x1  }
0xb6: {  	[sflag:s29] =	ssyncadd.s32 $0xFFFFFFFF  }
0xb7: {  	_ =	strace $0x90000048  }
0xb8: {  	_ =	sfence  }
0xb9: {  	s30 =	sld [smem:$0x0];
	_ =	sdelay $0x2  }
0xba: {  	s31 =	sshll.u32 s1, $0xD;
	s1 =	sshrl.u32 s1, $0x2  }
0xbb: {  	s3 =	sand.u32 $0x4000, s31;
	s1 =	sadd.s32 s1, s30  }
0xbc: {  	s0 =	sor.u32 s3, s0;
	s1 =	sshll.u32 s1, $0x11  }
0xbd: {  	s0 =	sor.u32 s1, s0  }
0xbe: {  	s0 =	sadd.s32 $0x8F2B, s0  }
0xbf: {  	[sflag:s0] =	ssyncadd.remote.s32 $0x1  }
0xc0: {  	_ =	sfence.sel $0xFFFF  }
0xc1: {  	[dreg:$0x0] =	wrdreg $0xFFFFFFFF;
	(pc) =	sbr.abs _section_cstart, $3  }
0xc2: {  	[dreg:$0x1] =	wrdreg $0xFFFFFFFF  }
0xc3: {  	_ =	task.clear_ibuf [dreg:s8], $0x2FFFF;
	_ =	strace $0x9FFFFFFF  }
0xc4: {  	(tm) =	ssettm $0x7FFFFFFF  }
0xc5: {  	_ =	shalt  }
tec
execute0_lowered:
.L_overlay_start_1:
0x0: {  	(tag) =	ssettag $0x1  }
0x1: {  	v0 =	vimm.s32 $0xB80  }
0x2: {  	vm14 =	vcmask $0x300;
	vm11 =	vcmask $0x704;
	v1 =	vimm.s32 $0x1B80  }
0x3: {  	vm12 =	vcmask $0xB08;
	vm13 =	vcmask $0xF0C;
	vm10 =	vcmask $0x1310  }
0x4: {  	vm9 =	vcmask $0x1714;
	vm8 =	vcmask $0x1B18;
	vm7 =	vcmask $0x1F1C  }
0x5: {  	vm6 =	vcmask $0x2320;
	vm5 =	vcmask $0x2724;
	vm4 =	vcmask $0x2B28  }
0x6: {  	vm3 =	vcmask $0x2F2C;
	vm2 =	vcmask $0x3330;
	vm1 =	vcmask $0x3734  }
0x7: {  	vm0 =	vcmask $0x3B38;
	v2 =	vimm.s32 $0x2B80;
	v3 =	vimm.s32 $0x3B80  }
0x8: {  	v4 =	vimm.s32 $0x4B80;
	v5 =	vimm.s32 $0x5B80;
	v6 =	vimm.s32 $0x6B80  }
0x9: {  	v7 =	vimm.s32 $0x7B80;
	v0 =	vsel vm14, $0x0, v0;
	v1 =	vsel vm14, $0x1000, v1  }
0xa: {  	v2 =	vsel vm14, $0x2000, v2;
	v3 =	vsel vm14, $0x3000, v3;
	v4 =	vsel vm14, $0x4000, v4  }
0xb: {  	v5 =	vsel vm14, $0x5000, v5;
	v6 =	vsel vm14, $0x6000, v6;
	v7 =	vsel vm14, $0x7000, v7  }
0xc: {  	v0 =	vsel vm11, $0x80, v0;
	v1 =	vsel vm11, $0x1080, v1;
	v2 =	vsel vm11, $0x2080, v2  }
0xd: {  	v3 =	vsel vm11, $0x3080, v3;
	v4 =	vsel vm11, $0x4080, v4;
	v5 =	vsel vm11, $0x5080, v5  }
0xe: {  	v6 =	vsel vm11, $0x6080, v6;
	v7 =	vsel vm11, $0x7080, v7;
	v0 =	vsel vm12, $0x100, v0  }
0xf: {  	v1 =	vsel vm12, $0x1100, v1;
	v2 =	vsel vm12, $0x2100, v2;
	v3 =	vsel vm12, $0x3100, v3  }
0x10: {  	v4 =	vsel vm12, $0x4100, v4;
	v5 =	vsel vm12, $0x5100, v5;
	v6 =	vsel vm12, $0x6100, v6  }
0x11: {  	v7 =	vsel vm12, $0x7100, v7;
	v0 =	vsel vm13, $0x180, v0;
	v1 =	vsel vm13, $0x1180, v1  }
0x12: {  	v2 =	vsel vm13, $0x2180, v2;
	v3 =	vsel vm13, $0x3180, v3;
	v4 =	vsel vm13, $0x4180, v4  }
0x13: {  	v5 =	vsel vm13, $0x5180, v5;
	v6 =	vsel vm13, $0x6180, v6;
	v7 =	vsel vm13, $0x7180, v7  }
0x14: {  	v0 =	vsel vm10, $0x200, v0;
	v1 =	vsel vm10, $0x1200, v1;
	v2 =	vsel vm10, $0x2200, v2  }
0x15: {  	v3 =	vsel vm10, $0x3200, v3;
	v4 =	vsel vm10, $0x4200, v4;
	v5 =	vsel vm10, $0x5200, v5  }
0x16: {  	v6 =	vsel vm10, $0x6200, v6;
	v7 =	vsel vm10, $0x7200, v7;
	v0 =	vsel vm9, $0x280, v0  }
0x17: {  	v1 =	vsel vm9, $0x1280, v1;
	v2 =	vsel vm9, $0x2280, v2;
	v3 =	vsel vm9, $0x3280, v3  }
0x18: {  	v4 =	vsel vm9, $0x4280, v4;
	v5 =	vsel vm9, $0x5280, v5;
	v6 =	vsel vm9, $0x6280, v6  }
0x19: {  	v7 =	vsel vm9, $0x7280, v7;
	v0 =	vsel vm8, $0x300, v0;
	v1 =	vsel vm8, $0x1300, v1  }
0x1a: {  	v2 =	vsel vm8, $0x2300, v2;
	v3 =	vsel vm8, $0x3300, v3;
	v4 =	vsel vm8, $0x4300, v4  }
0x1b: {  	v5 =	vsel vm8, $0x5300, v5;
	v6 =	vsel vm8, $0x6300, v6;
	v7 =	vsel vm8, $0x7300, v7  }
0x1c: {  	v0 =	vsel vm7, $0x380, v0;
	v1 =	vsel vm7, $0x1380, v1;
	v2 =	vsel vm7, $0x2380, v2  }
0x1d: {  	v3 =	vsel vm7, $0x3380, v3;
	v4 =	vsel vm7, $0x4380, v4;
	v5 =	vsel vm7, $0x5380, v5  }
0x1e: {  	v6 =	vsel vm7, $0x6380, v6;
	v7 =	vsel vm7, $0x7380, v7;
	v0 =	vsel vm6, $0x800, v0  }
0x1f: {  	v1 =	vsel vm6, $0x1800, v1;
	v2 =	vsel vm6, $0x2800, v2;
	v3 =	vsel vm6, $0x3800, v3  }
0x20: {  	v4 =	vsel vm6, $0x4800, v4;
	v5 =	vsel vm6, $0x5800, v5;
	v6 =	vsel vm6, $0x6800, v6  }
0x21: {  	v7 =	vsel vm6, $0x7800, v7;
	v0 =	vsel vm5, $0x880, v0;
	v1 =	vsel vm5, $0x1880, v1  }
0x22: {  	v2 =	vsel vm5, $0x2880, v2;
	v3 =	vsel vm5, $0x3880, v3;
	v4 =	vsel vm5, $0x4880, v4  }
0x23: {  	v5 =	vsel vm5, $0x5880, v5;
	v6 =	vsel vm5, $0x6880, v6;
	v7 =	vsel vm5, $0x7880, v7  }
0x24: {  	v0 =	vsel vm4, $0x900, v0;
	v1 =	vsel vm4, $0x1900, v1;
	v2 =	vsel vm4, $0x2900, v2  }
0x25: {  	v3 =	vsel vm4, $0x3900, v3;
	v4 =	vsel vm4, $0x4900, v4;
	v5 =	vsel vm4, $0x5900, v5  }
0x26: {  	v6 =	vsel vm4, $0x6900, v6;
	v7 =	vsel vm4, $0x7900, v7;
	v0 =	vsel vm3, $0x980, v0  }
0x27: {  	s0 =	rddreg [dreg:$0x0];
	v1 =	vsel vm3, $0x1980, v1;
	v2 =	vsel vm3, $0x2980, v2;
	v3 =	vsel vm3, $0x3980, v3  }
0x28: {  	s1 =	rddreg [dreg:$0x1];
	v4 =	vsel vm3, $0x4980, v4;
	v5 =	vsel vm3, $0x5980, v5;
	v6 =	vsel vm3, $0x6980, v6  }
0x29: {  	s7 =	rddreg [dreg:$0x2];
	v7 =	vsel vm3, $0x7980, v7;
	v0 =	vsel vm2, $0xA00, v0;
	v1 =	vsel vm2, $0x1A00, v1  }
0x2a: {  	s2 =	rddreg [dreg:$0x3];
	v2 =	vsel vm2, $0x2A00, v2;
	v3 =	vsel vm2, $0x3A00, v3;
	v4 =	vsel vm2, $0x4A00, v4  }
0x2b: {  	s3 =	simm.s32 $0x0;
	s5 =	srdreg.scid;
	s4 =	stileid.u32;
	v5 =	vsel vm2, $0x5A00, v5;
	v6 =	vsel vm2, $0x6A00, v6;
	v7 =	vsel vm2, $0x7A00, v7  }
0x2c: {  	s11 =	simm.s32 $0x12000;
	s12 =	simm.s32 $0x3;
	s13 =	simm.s32 $0x800;
	v0 =	vsel vm1, $0xA80, v0;
	v1 =	vsel vm1, $0x1A80, v1;
	v2 =	vsel vm1, $0x2A80, v2  }
0x2d: {  	s14 =	simm.s32 $0x200000;
	s15 =	simm.s32 $0x8000;
	s16 =	simm.s32 $0x1;
	v3 =	vsel vm1, $0x3A80, v3;
	v4 =	vsel vm1, $0x4A80, v4;
	v5 =	vsel vm1, $0x5A80, v5  }
0x2e: {  	s17 =	simm.s32 $0x10000;
	s18 =	simm.s32 $0x11000;
	s19 =	simm.s32 $0x2;
	v8 =	vsel vm1, $0x6A80, v6;
	v9 =	vsel vm1, $0x7A80, v7;
	v6 =	vlaneseq.u32  }
0x2f: {  	s20 =	simm.s32 $0x0;
	[smem:$0x7FF] =	sst s3;
	s5 =	sand.u32 $0x1, s5;
	v0 =	vsel vm0, $0xB00, v0;
	v1 =	vsel vm0, $0x1B00, v1;
	v2 =	vsel vm0, $0x2B00, v2  }
0x30: {  	s6 =	sshll.u32 s4, $0xE;
	s8 =	ssub.s32 $0x2, s5;
	s9 =	sshll.u32 s5, $0xD;
	v3 =	vsel vm0, $0x3B00, v3;
	v4 =	vsel vm0, $0x4B00, v4;
	v5 =	vsel vm0, $0x5B00, v5  }
0x31: {  	_ =	strace $0x80000047;
	s10 =	sshrl.u32 s8, $0x1;
	s6 =	sor.u32 s9, s6;
	v7 =	vsel vm0, $0x6B00, v8;
	v8 =	vsel vm0, $0x7B00, v9;
	v9 =	vor.u32 $0x10, v6  }
0x32: {  	s5 =	sadd.s32 $0xA00, s7;
	s10 =	ssub.s32 s8, s10;
	s8 =	sadd.s32 s0, s6;
	v10 =	vor.u32 $0x20, v6;
	v11 =	vor.u32 $0x30, v6;
	v12 =	vor.u32 $0x40, v6  }
0x33: {  	s7 =	sadd.s32 $0x80A00, s7;
	s9 =	sadd.s32 $0x200, s8;
	s10 =	smax.u32 s10, $0x1;
	v13 =	vor.u32 $0x50, v6;
	v14 =	vor.u32 $0x60, v6;
	v15 =	vor.u32 $0x70, v6  }
.LBB2_1:
0x34: {  	[tilespmem:s11], [sflag:$0x3] =	stream.linear.gather [hbm4b:s1+s3], $0x80, $0x38;
	[tilespmem:$0x12080] =	vst v63  }
0x35: {  	_ =	swait.ge [sflag:s12], $0x80  }
0x36: {  	[sflag:s12] =	ssyncset.done $0x0  }
0x37: {  	s21 =	simm.s32 $0x0;
	[sflag:s12] =	ssyncadd.s32 $0xFFFFFF80  }
0x38: {  	[tilespmem:s3], [sflag:$0x1] =	stream.strided.gather [hbm4b:s8+s13], $0x8000, s14, s13, $0x38;
	[tilespmem:$0x12080] =	vst v63  }
.LBB2_2:
0x39: {  	s22 =	simm.s32 $0x1  }
0x3a: {  	v16 =	vmov s22  }
0x3b: {  	s23 =	sshll.u32 s21, $0x9;
	v17 =	vshll.u32 v16, $0x3  }
0x3c: {  	s24 =	sor.u32 s23, s6;
	v16 =	vand.u32 $0x7D, v16;
	v17 =	vand.u32 $0x400, v17  }
0x3d: {  	s22 =	sor.u32 $0x100, s24;
	v17 =	vor.u32 v16, v17  }
0x3e: {  	s25 =	sadd.s32 s0, s22;
	v18 =	vor.u32 v4, v17  }
0x3f: {  	[tilespmem:s15], [sflag:$0x2] =	stream.strided.gather [hbm4b:s25+s13], $0x8000, s14, s13, $0x38;
	v19 =	vor.u32 v3, v17;
	[tilespmem:$0x12080] =	vst v63  }
0x40: {  	_ =	swait.ge [sflag:s16], $0x8000;
	v20 =	vor.u32 v2, v17  }
0x41: {  	v21 =	vor.u32 v1, v17;
	[sflag:s16] =	ssyncset.done $0x0  }
0x42: {  	v16 =	vor.u32 v0, v17;
	[sflag:s16] =	ssyncadd.s32 $0xFFFF8000  }
0x43: {  	v22 =	vor.u32 v8, v17;
	v18 =	vld.idx.msk [tilespmem:v18+s3+$0x0], $0xffff  }
0x44: {  	s31 =	simm.s32 $0x2;
	v23 =	vor.u32 v5, v17;
	v19 =	vld.idx.msk [tilespmem:v19+s3+$0x0], $0xffff  }
0x45: {  	v24 =	vmov s31;
	v20 =	vld.idx.msk [tilespmem:v20+s3+$0x0], $0xffff  }
0x46: {  	v25 =	vshll.u32 v24, $0x3;
	v17 =	vor.u32 v7, v17;
	v21 =	vld.idx.msk [tilespmem:v21+s3+$0x0], $0xffff  }
0x47: {  	v24 =	vand.u32 $0x7E, v24;
	v25 =	vand.u32 $0x400, v25;
	v26 =	vld.idx.msk [tilespmem:v16+s3+$0x0], $0xffff  }
0x48: {  	v24 =	vor.u32 v24, v25;
	v22 =	vld.idx.msk [tilespmem:v22+s3+$0x0], $0xffff;
	v18 =	vand.u32 $0xFFFFFF80, v18  }
0x49: {  	v25 =	vor.u32 v4, v24;
	v23 =	vld.idx.msk [tilespmem:v23+s3+$0x0], $0xffff;
	v19 =	vand.u32 $0xFFFFFF80, v19;
	v18 =	vor.u32 v12, v18  }
0x4a: {  	v20 =	vand.u32 $0xFFFFFF80, v20;
	v19 =	vor.u32 v11, v19;
	(xrf1) =	vsort.ascd.msk.u32 $0xffff, v18, v18;
	v18 =	vor.u32 v7, v24  }
0x4b: {  	v17 =	vld.idx.msk [tilespmem:v17+s3+$0x0], $0xffff;
	v21 =	vand.u32 $0xFFFFFF80, v21;
	v20 =	vor.u32 v10, v20;
	(xrf1) =	vsort.dscd.msk.u32 $0xffff, v19, v19  }
0x4c: {  	v26 =	vand.u32 $0xFFFFFF80, v26;
	v21 =	vor.u32 v9, v21;
	v19 =	vor.u32 v8, v24;
	(xrf1) =	vsort.ascd.msk.u32 $0xffff, v20, v20  }
0x4d: {  	v22 =	vand.u32 $0xFFFFFF80, v22;
	v20 =	vor.u32 v6, v26;
	(xrf1) =	vsort.dscd.msk.u32 $0xffff, v21, v21;
	v21 =	vor.u32 v5, v24  }
0x4e: {  	v23 =	vand.u32 $0xFFFFFF80, v23;
	v22 =	vor.u32 v15, v22;
	(xrf1) =	vsort.ascd.msk.u32 $0xffff, v20, v20;
	v20 =	vor.u32 v1, v24  }
0x4f: {  	v23 =	vor.u32 v13, v23;
	(xrf1) =	vsort.dscd.msk.u32 $0xffff, v22, v22;
	v18 =	vld.idx.msk [tilespmem:v18+s3+$0x0], $0xffff  }
0x50: {  	v22 =	vor.u32 v2, v24;
	(xrf1) =	vsort.dscd.msk.u32 $0xffff, v23, v23;
	v23 =	vld.idx.msk [tilespmem:v25+s3+$0x0], $0xffff  }
0x51: {  	s26 =	simm.s32 $0x3;
	v19 =	vld.idx.msk [tilespmem:v19+s3+$0x0], $0xffff  }
0x52: {  	v17 =	vand.u32 $0xFFFFFF80, v17;
	v26 =	vmov s26;
	v25 =	vor.u32 v3, v24;
	v21 =	vld.idx.msk [tilespmem:v21+s3+$0x0], $0xffff  }
0x53: {  	v17 =	vor.u32 v14, v17;
	v27 =	vshll.u32 v26, $0x3;
	v20 =	vld.idx.msk [tilespmem:v20+s3+$0x0], $0xffff  }
0x54: {  	v26 =	vand.u32 $0x7F, v26;
	(xrf1) =	vsort.ascd.msk.u32 $0xffff, v17, v17;
	v17 =	vor.u32 v0, v24;
	v18 =	vand.u32 $0xFFFFFF80, v18  }
0x55: {  	v24 =	vand.u32 $0x400, v27;
	v22 =	vld.idx.msk [tilespmem:v22+s3+$0x0], $0xffff;
	v23 =	vand.u32 $0xFFFFFF80, v23;
	v18 =	vor.u32 v14, v18  }
0x56: {  	v24 =	vor.u32 v26, v24;
	v19 =	vand.u32 $0xFFFFFF80, v19;
	v23 =	vor.u32 v12, v23;
	(xrf1) =	vsort.ascd.msk.u32 $0xffff, v18, v18  }
0x57: {  	v25 =	vld.idx.msk [tilespmem:v25+s3+$0x0], $0xffff;
	v19 =	vor.u32 v15, v19;
	v18 =	vand.u32 $0xFFFFFF80, v21;
	(xrf1) =	vsort.ascd.msk.u32 $0xffff, v23, v23  }
0x58: {  	v26 =	vor.u32 v3, v24;
	v18 =	vor.u32 v13, v18;
	v20 =	vand.u32 $0xFFFFFF80, v20;
	(xrf1) =	vsort.dscd.msk.u32 $0xffff, v19, v19  }
0x59: {  	v23 =	vor.u32 v7, v24;
	v21, _, _ =	vpop (xrf1);
	v20 =	vor.u32 v9, v20;
	(xrf1) =	vsort.dscd.msk.u32 $0xffff, v18, v18  }
0x5a: {  	v19 =	vld.idx.msk [tilespmem:v17+s3+$0x0], $0xffff;
	v27, _, _ =	vpop (xrf1);
	v22 =	vand.u32 $0xFFFFFF80, v22;
	(xrf1) =	vsort.dscd.msk.u32 $0xffff, v20, v20;
	v20 =	vor.u32 v1, v24  }
0x5b: {  	v18 =	vor.u32 v0, v24;
	v28, _, _ =	vpop (xrf1);
	v22 =	vor.u32 v10, v22  }
0x5c: {  	v25 =	vand.u32 $0xFFFFFF80, v25;
	v29, _, _ =	vpop (xrf1);
	(xrf1) =	vsort.ascd.msk.u32 $0xffff, v22, v22;
	v22 =	vor.u32 v2, v24  }
0x5d: {  	v26 =	vld.idx.msk [tilespmem:v26+s3+$0x0], $0xffff;
	v25 =	vor.u32 v11, v25;
	v30, _, _ =	vpop (xrf1)  }
0x5e: {  	(xrf1) =	vsort.dscd.msk.u32 $0xffff, v25, v25;
	v25 =	vor.u32 v8, v24;
	v23 =	vld.idx.msk [tilespmem:v23+s3+$0x0], $0xffff;
	v29 =	vmin.u32 v30, v29;
	v30, _, _ =	vpop (xrf1)  }
0x5f: {  	s28 =	simm.s32 $0x0;
	v27 =	vmin.u32 v28, v27;
	v19 =	vand.u32 $0xFFFFFF80, v19;
	v28, _, _ =	vpop (xrf1);
	(xrf1) =	vsort.ascd.msk.u32 $0xffff, v29, v29;
	v20 =	vld.idx.msk [tilespmem:v20+s3+$0x0], $0xffff  }
0x60: {  	v19 =	vor.u32 v6, v19;
	v21 =	vmin.u32 v21, v28;
	(xrf1) =	vsort.dscd.msk.u32 $0xffff, v27, v27;
	v27 =	vmov s28;
	v28 =	vld.idx.msk [tilespmem:v18+s3+$0x0], $0xffff  }
0x61: {  	v29 =	vor.u32 v5, v24;
	(xrf1) =	vsort.ascd.msk.u32 $0xffff, v21, v21;
	v21 =	vshll.u32 v27, $0x3;
	v22 =	vld.idx.msk [tilespmem:v22+s3+$0x0], $0xffff  }
0x62: {  	(xrf1) =	vsort.ascd.msk.u32 $0xffff, v19, v19;
	v19 =	vand.u32 $0x400, v21;
	v21 =	vor.u32 v4, v24;
	v24 =	vand.u32 $0xFFFFFF80, v26;
	v26, _, _ =	vpop (xrf1)  }
0x63: {  	v27 =	vand.u32 $0x7C, v27;
	v23 =	vand.u32 $0xFFFFFF80, v23;
	v25 =	vld.idx.msk [tilespmem:v25+s3+$0x0], $0xffff;
	v26 =	vmin.u32 v26, v30  }
0x64: {  	v24 =	vor.u32 v11, v24;
	v27 =	vor.u32 v27, v19;
	(xrf1) =	vsort.dscd.msk.u32 $0xffff, v26, v26;
	v20 =	vand.u32 $0xFFFFFF80, v20  }
0x65: {  	v19 =	vor.u32 v14, v23;
	v23 =	vand.u32 $0xFFFFFF80, v28;
	v28, _, _ =	vpop (xrf1);
	(xrf1) =	vsort.dscd.msk.u32 $0xffff, v24, v24;
	v20 =	vor.u32 v9, v20  }
0x66: {  	v24 =	vld.idx.msk [tilespmem:v29+s3+$0x0], $0xffff;
	v23 =	vor.u32 v6, v23;
	(xrf1) =	vsort.ascd.msk.u32 $0xffff, v19, v19;
	v29, _, _ =	vpop (xrf1);
	v19 =	vand.u32 $0xFFFFFF80, v22  }
0x67: {  	v26 =	vor.u32 v5, v27;
	(xrf1) =	vsort.ascd.msk.u32 $0xffff, v23, v23;
	v22, _, _ =	vpop (xrf1);
	v23 =	vor.u32 v10, v19  }
0x68: {  	v30 =	vor.u32 v2, v27;
	(xrf1) =	vsort.dscd.msk.u32 $0xffff, v20, v20;
	v20, _, _ =	vpop (xrf1)  }
0x69: {  	v21 =	vld.idx.msk [tilespmem:v21+s3+$0x0], $0xffff;
	v20 =	vmin.u32 v29, v20  }
0x6a: {  	v19 =	vor.u32 v0, v27;
	(xrf1) =	vsort.ascd.msk.u32 $0xffff, v23, v23;
	v23, _, _ =	vpop (xrf1)  }
0x6b: {  	v31 =	vor.u32 v3, v27;
	v32 =	vor.u32 v1, v27;
	v25 =	vand.u32 $0xFFFFFF80, v25;
	v29, _, _ =	vpop (xrf1)  }
0x6c: {  	v25 =	vor.u32 v15, v25;
	v26 =	vld.idx.msk [tilespmem:v26+s3+$0x0], $0xffff;
	v24 =	vand.u32 $0xFFFFFF80, v24;
	(xrf1) =	vsort.ascd.msk.u32 $0xffff, v20, v20;
	v20, _, _ =	vpop (xrf1)  }
0x6d: {  	v33 =	vor.u32 v4, v27;
	v24 =	vor.u32 v13, v24;
	(xrf1) =	vsort.dscd.msk.u32 $0xffff, v25, v25;
	v25 =	vld.idx.msk [tilespmem:v30+s3+$0x0], $0xffff;
	v34, _, _ =	vpop (xrf1)  }
0x6e: {  	v22 =	vmin.u32 v28, v22;
	v21 =	vand.u32 $0xFFFFFF80, v21;
	(xrf1) =	vsort.dscd.msk.u32 $0xffff, v24, v24;
	v24 =	vor.u32 v7, v27;
	v28, _, _ =	vpop (xrf1)  }
0x6f: {  	v30 =	vor.u32 v8, v27;
	v21 =	vor.u32 v12, v21;
	v27 =	vld.idx.msk [tilespmem:v19+s3+$0x0], $0xffff;
	(xrf1) =	vsort.dscd.msk.u32 $0xffff, v22, v22;
	v35, _, _ =	vpop (xrf1)  }
0x70: {  	v22 =	vld.idx.msk [tilespmem:v31+s3+$0x0], $0xffff;
	v20 =	vmin.u32 v29, v20;
	(xrf1) =	vsort.ascd.msk.u32 $0xffff, v21, v21;
	v29, _, _ =	vpop (xrf1)  }
0x71: {  	v21 =	vld.idx.msk [tilespmem:v32+s3+$0x0], $0xffff;
	(xrf1) =	vsort.dscd.msk.u32 $0xffff, v20, v20;
	v20 =	vand.u32 $0xFFFFFF80, v26;
	v23 =	vmin.u32 v29, v23  }
0x72: {  	v26 =	vld.idx.msk [tilespmem:v33+s3+$0x0], $0xffff;
	v20 =	vor.u32 v13, v20;
	v25 =	vand.u32 $0xFFFFFF80, v25;
	(xrf1) =	vsort.ascd.msk.u32 $0xffff, v23, v23  }
0x73: {  	v24 =	vld.idx.msk [tilespmem:v24+s3+$0x0], $0xffff;
	v25 =	vor.u32 v10, v25;
	(xrf1) =	vsort.dscd.msk.u32 $0xffff, v20, v20  }
0x74: {  	v29 =	vld.idx.msk [tilespmem:v30+s3+$0x0], $0xffff;
	v20 =	vand.u32 $0xFFFFFF80, v27;
	v23, _, _ =	vpop (xrf1);
	(xrf1) =	vsort.ascd.msk.u32 $0xffff, v25, v25  }
0x75: {  	v22 =	vand.u32 $0xFFFFFF80, v22;
	v20 =	vor.u32 v6, v20;
	v30, _, _ =	vpop (xrf1)  }
0x76: {  	v21 =	vand.u32 $0xFFFFFF80, v21;
	v22 =	vor.u32 v11, v22;
	(xrf1) =	vsort.ascd.msk.u32 $0xffff, v20, v20;
	v62, _, _ =	vpop (xrf1)  }
0x77: {  	s30 =	simm.s32 $0x5;
	v21 =	vor.u32 v9, v21;
	v38 =	vmin.u32 v35, v23;
	v23 =	vand.u32 $0xFFFFFF80, v26;
	(xrf1) =	vsort.dscd.msk.u32 $0xffff, v22, v22;
	v25, _, _ =	vpop (xrf1)  }
0x78: {  	s29 =	simm.s32 $0x4;
	v27 =	vmov s30;
	v23 =	vor.u32 v12, v23;
	v26 =	vand.u32 $0xFFFFFF80, v24;
	(xrf1) =	vsort.dscd.msk.u32 $0xffff, v21, v21;
	v20, _, _ =	vpop (xrf1)  }
0x79: {  	s26 =	simm.s32 $0x6;
	v21 =	vmov s29;
	(xrf1) =	vsort.ascd.msk.u32 $0xffff, v23, v23;
	v20 =	vmin.u32 v25, v20;
	v22, _, _ =	vpop (xrf1);
	v25 =	vand.u32 $0xFFFFFF80, v29  }
0x7a: {  	v26 =	vor.u32 v14, v26;
	v29 =	vmov s26;
	v24, _, _ =	vpop (xrf1);
	v23 =	vor.u32 v15, v25;
	(xrf1) =	vsort.ascd.msk.u32 $0xffff, v20, v20  }
0x7b: {  	v22 =	vmin.u32 v22, v30;
	v20 =	vshll.u32 v27, $0x3;
	v25 =	vshll.u32 v29, $0x3;
	(xrf1) =	vsort.dscd.msk.u32 $0xffff, v23, v23;
	v63, _, _ =	vpop (xrf1)  }
0x7c: {  	v30 =	vmin.u32 v34, v28;
	v27 =	vand.u32 $0x7D, v27;
	v20 =	vand.u32 $0x400, v20;
	v31, _, _ =	vpop (xrf1);
	(xrf1) =	vsort.dscd.msk.u32 $0xffff, v22, v22  }
0x7d: {  	s31 =	simm.s32 $0x7;
	v23 =	vand.u32 $0x400, v25;
	v25 =	vand.u32 $0x7E, v29;
	v22 =	vshll.u32 v21, $0x3;
	(xrf1) =	vsort.ascd.msk.u32 $0xffff, v26, v26;
	v33, _, _ =	vpop (xrf1)  }
0x7e: {  	v28 =	vor.u32 v27, v20;
	v27 =	vmov s31;
	v35 =	vmin.u32 v62, v63;
	(xrf1) =	vsort.ascd.msk.u32 $0xffff, v30, v30;
	v37, _, _ =	vpop (xrf1)  }
0x7f: {  	v26 =	vor.u32 v1, v28;
	v36 =	vor.u32 v4, v28;
	v20 =	vor.u32 v0, v28;
	v32, _, _ =	vpop (xrf1)  }
0x80: {  	s25 =	simm.s32 $0x8;
	v22 =	vand.u32 $0x400, v22;
	v29 =	vor.u32 v2, v28;
	v30 =	vor.u32 v3, v28;
	(xrf1) =	vsort.dscd.msk.u32 $0xffff, v38, v38;
	v34, _, _ =	vpop (xrf1)  }
.LBB2_3:
0x81: {  	p0 =	slt.u32 s25, $0xFC;
	v38 =	vor.u32 v7, v28;
	v39 =	vor.u32 v8, v28;
	v33 =	vmin.u32 v24, v33;
	v40, _, _ =	vpop (xrf1);
	s26 =	smov.u32 s25;
	s25 =	sadd.s32 $0x4, s25  }
0x82: {  	v24 =	vshll.u32 v27, $0x3;
	v31 =	vmin.u32 v37, v31;
	v37, _, _ =	vpop (xrf1);
	(xrf1) =	vsort.dscd.msk.u32 $0xffff, v35, v35  }
0x83: {  	v27 =	vand.u32 $0x7F, v27;
	v35 =	vor.u32 v5, v28;
	v24 =	vand.u32 $0x400, v24;
	(xrf1) =	vsort.ascd.msk.u32 $0xffff, v31, v31  }
0x84: {  	v32 =	vmin.u32 v34, v32;
	v28 =	vor.u32 v27, v24;
	v31 =	vld.idx.msk [tilespmem:v36+s3+$0x0], $0xffff;
	v36 =	vor.u32 v25, v23;
	v23, _, _ =	vpop (xrf1)  }
0x85: {  	v34 =	vld.idx.msk [tilespmem:v20+s3+$0x0], $0xffff;
	v24 =	vor.u32 v0, v36;
	v41 =	vor.u32 v1, v36;
	v25, _, _ =	vpop (xrf1);
	(xrf1) =	vsort.dscd.msk.u32 $0xffff, v33, v33  }
0x86: {  	v42 =	vor.u32 v4, v36;
	v33 =	vld.idx.msk [tilespmem:v26+s3+$0x0], $0xffff;
	v26 =	vor.u32 v5, v36;
	v25 =	vmin.u32 v37, v25;
	v27, _, _ =	vpop (xrf1)  }
0x87: {  	v37 =	vor.u32 v8, v36;
	v30 =	vld.idx.msk [tilespmem:v30+s3+$0x0], $0xffff;
	v27 =	vmin.u32 v23, v27;
	v43, _, _ =	vpop (xrf1);
	(xrf1) =	vsort.dscd.msk.u32 $0xffff, v25, v25  }
0x88: {  	v23 =	vor.u32 v0, v28;
	v29 =	vld.idx.msk [tilespmem:v29+s3+$0x0], $0xffff;
	v40 =	vmin.u32 v43, v40;
	(xrf1) =	vsort.ascd.msk.u32 $0xffff, v27, v27;
	v43, _, _ =	vpop (xrf1)  }
0x89: {  	v45 =	vor.u32 v2, v28;
	v44 =	vor.u32 v7, v36;
	v27 =	vor.u32 v1, v28;
	v39 =	vld.idx.msk [tilespmem:v39+s3+$0x0], $0xffff;
	v46, _, _ =	vpop (xrf1)  }
0x8a: {  	v47 =	vor.u32 v3, v28;
	v25 =	vor.u32 v4, v28;
	v35 =	vld.idx.msk [tilespmem:v35+s3+$0x0], $0xffff;
	v48, _, _ =	vpop (xrf1)  }
0x8b: {  	v34 =	vand.u32 $0xFFFFFF80, v34;
	v49 =	vld.idx.msk [tilespmem:v26+s3+$0x0], $0xffff;
	v43 =	vmin.u32 v43, v48;
	v26, _, _ =	vpop (xrf1);
	(xrf1) =	vsort.ascd.msk.u32 $0xffff, v32, v32  }
0x8c: {  	v31 =	vand.u32 $0xFFFFFF80, v31;
	v32 =	vor.u32 v6, v34;
	v34 =	vld.idx.msk [tilespmem:v37+s3+$0x0], $0xffff;
	v48 =	vmin.u32 v26, v46;
	v46, _, _ =	vpop (xrf1)  }
0x8d: {  	v31 =	vor.u32 v12, v31;
	v30 =	vand.u32 $0xFFFFFF80, v30;
	v26 =	vor.u32 v5, v28;
	(xrf1) =	vsort.ascd.msk.u32 $0xffff, v40, v40  }
0x8e: {  	v29 =	vand.u32 $0xFFFFFF80, v29;
	v50 =	vor.u32 v11, v30;
	v40 =	vld.idx.msk [tilespmem:v42+s3+$0x0], $0xffff;
	(xrf1) =	vsort.dscd.msk.u32 $0xffff, v48, v48;
	v37, _, _ =	vpop (xrf1)  }
0x8f: {  	v33 =	vand.u32 $0xFFFFFF80, v33;
	v29 =	vor.u32 v10, v29;
	v39 =	vand.u32 $0xFFFFFF80, v39;
	v38 =	vld.idx.msk [tilespmem:v38+s3+$0x0], $0xffff;
	(xrf1) =	vsort.ascd.msk.u32 $0xffff, v31, v31  }
0x90: {  	v31 =	vor.u32 v9, v33;
	v33 =	vand.u32 $0xFFFFFF80, v35;
	v35 =	vor.u32 v2, v36;
	(xrf1) =	vsort.dscd.msk.u32 $0xffff, v50, v50;
	v30, _, _ =	vpop (xrf1)  }
0x91: {  	v39 =	vor.u32 v15, v39;
	v36 =	vor.u32 v3, v36;
	v42 =	vld.idx.msk [tilespmem:v44+s3+$0x0], $0xffff;
	v44, _, _ =	vpop (xrf1);
	(xrf1) =	vsort.ascd.msk.u32 $0xffff, v43, v43  }
0x92: {  	v33 =	vor.u32 v13, v33;
	v43 =	vld.idx.msk [tilespmem:v47+s3+$0x0], $0xffff;
	(xrf1) =	vsort.ascd.msk.u32 $0xffff, v29, v29;
	v29 =	vmin.u32 v44, v30  }
0x93: {  	v30 =	vor.u32 v7, v28;
	(xrf1) =	vsort.dscd.msk.u32 $0xffff, v31, v31;
	v31 =	vmin.u32 v46, v37;
	v37, _, _ =	vpop (xrf1)  }
0x94: {  	(xrf1) =	vsort.ascd.msk.u32 $0xffff, v32, v32;
	v32 =	vand.u32 $0x7F, v31  }
0x95: {  	v38 =	vand.u32 $0xFFFFFF80, v38;
	v35 =	vld.idx.msk [tilespmem:v35+s3+$0x0], $0xffff;
	(xrf1) =	vsort.dscd.msk.u32 $0xffff, v39, v39;
	v39, _, _ =	vpop (xrf1)  }
0x96: {  	v38 =	vor.u32 v14, v38;
	v36 =	vld.idx.msk [tilespmem:v36+s3+$0x0], $0xffff;
	(xrf1) =	vsort.dscd.msk.u32 $0xffff, v33, v33;
	v33, _, _ =	vpop (xrf1)  }
0x97: {  	v40 =	vand.u32 $0xFFFFFF80, v40;
	v41 =	vld.idx.msk [tilespmem:v41+s3+$0x0], $0xffff;
	v33 =	vmin.u32 v33, v39;
	(xrf1) =	vsort.dscd.msk.u32 $0xffff, v29, v29  }
0x98: {  	v34 =	vand.u32 $0xFFFFFF80, v34;
	v39 =	vor.u32 v12, v40;
	v40 =	vand.u32 $0xFFFFFF80, v49;
	v29 =	vld.idx.msk [tilespmem:v24+s3+$0x0], $0xffff;
	(xrf1) =	vsort.ascd.msk.u32 $0xffff, v38, v38  }
0x99: {  	v38 =	vor.u32 v13, v40;
	v40 =	vand.u32 $0xFFFFFF80, v42;
	v42 =	vand.u32 $0xFFFFFF80, v43;
	v32 =	vld.idx.msk [tilespmem:v32+s11+$0x0], $0xffff;
	v43, _, _ =	vpop (xrf1)  }
0x9a: {  	v34 =	vor.u32 v15, v34;
	v44 =	vor.u32 v14, v40;
	v42 =	vor.u32 v11, v42  }
0x9b: {  	v35 =	vand.u32 $0xFFFFFF80, v35;
	(xrf1) =	vsort.ascd.msk.u32 $0xffff, v44, v44;
	[tilespmem:v16+s17+$0x0] =	vst.idx.msk $0xffff, v31;
	v31, _, _ =	vpop (xrf1)  }
0x9c: {  	v28 =	vor.u32 v8, v28;
	v36 =	vand.u32 $0xFFFFFF80, v36;
	v40, _, _ =	vpop (xrf1);
	(xrf1) =	vsort.ascd.msk.u32 $0xffff, v33, v33  }
0x9d: {  	v33 =	vand.u32 $0xFFFFFF80, v41;
	v36 =	vor.u32 v11, v36;
	v41, _, _ =	vpop (xrf1);
	(xrf1) =	vsort.ascd.msk.u32 $0xffff, v39, v39;
	v31 =	vmin.u32 v31, v40  }
0x9e: {  	v29 =	vand.u32 $0xFFFFFF80, v29;
	v33 =	vor.u32 v9, v33;
	v30 =	vld.idx.msk [tilespmem:v30+s3+$0x0], $0xffff;
	v39, _, _ =	vpop (xrf1);
	(xrf1) =	vsort.dscd.msk.u32 $0xffff, v31, v31  }
0x9f: {  	v29 =	vor.u32 v6, v29;
	v31 =	vmin.u32 v43, v37;
	(xrf1) =	vsort.dscd.msk.u32 $0xffff, v34, v34;
	v34, _, _ =	vpop (xrf1)  }
0xa0: {  	v37, _, _ =	vpop (xrf1);
	(xrf1) =	vsort.dscd.msk.u32 $0xffff, v38, v38;
	[tilespmem:v16+s18+$0x0] =	vst.idx.msk $0xffff, v32;
	v32 =	vand.u32 $0x7F, v31;
	v16 =	vmov v20  }
0xa1: {  	v35 =	vor.u32 v10, v35;
	v20 =	vmin.u32 v37, v39;
	v37 =	vld.idx.msk [tilespmem:v45+s3+$0x0], $0xffff;
	v38, _, _ =	vpop (xrf1);
	(xrf1) =	vsort.dscd.msk.u32 $0xffff, v33, v33  }
0xa2: {  	v33 =	vld.idx.msk [tilespmem:v23+s3+$0x0], $0xffff;
	v39, _, _ =	vpop (xrf1);
	(xrf1) =	vsort.ascd.msk.u32 $0xffff, v35, v35  }
0xa3: {  	v35 =	vmin.u32 v39, v38;
	v38, _, _ =	vpop (xrf1);
	(xrf1) =	vsort.dscd.msk.u32 $0xffff, v36, v36  }
0xa4: {  	v30 =	vand.u32 $0xFFFFFF80, v30;
	v27 =	vld.idx.msk [tilespmem:v27+s3+$0x0], $0xffff;
	v36, _, _ =	vpop (xrf1);
	(xrf1) =	vsort.ascd.msk.u32 $0xffff, v35, v35  }
0xa5: {  	v30 =	vor.u32 v14, v30;
	v35 =	vmin.u32 v41, v36;
	(xrf1) =	vsort.dscd.msk.u32 $0xffff, v20, v20;
	v20 =	vld.idx.msk [tilespmem:v32+s11+$0x0], $0xffff;
	v32, _, _ =	vpop (xrf1)  }
0xa6: {  	v28 =	vld.idx.msk [tilespmem:v28+s3+$0x0], $0xffff;
	v36, _, _ =	vpop (xrf1);
	(xrf1) =	vsort.ascd.msk.u32 $0xffff, v35, v35;
	[tilespmem:v17+s17+$0x0] =	vst.idx.msk $0xffff, v31;
	v31 =	vmin.u32 v34, v32  }
0xa7: {  	v21 =	vand.u32 $0x7C, v21;
	v32 =	vmin.u32 v36, v38;
	(xrf1) =	vsort.ascd.msk.u32 $0xffff, v29, v29;
	v29 =	vand.u32 $0x7F, v31  }
0xa8: {  	v21 =	vor.u32 v21, v22;
	v22 =	vld.idx.msk [tilespmem:v25+s3+$0x0], $0xffff;
	v25 =	vand.u32 $0xFFFFFF80, v33;
	v33 =	vand.u32 $0xFFFFFF80, v37;
	(xrf1) =	vsort.dscd.msk.u32 $0xffff, v32, v32  }
0xa9: {  	v32 =	vor.u32 v5, v21;
	v26 =	vld.idx.msk [tilespmem:v26+s3+$0x0], $0xffff;
	v33 =	vor.u32 v10, v33;
	v34, _, _ =	vpop (xrf1);
	(xrf1) =	vsort.dscd.msk.u32 $0xffff, v42, v42  }
0xaa: {  	v35 =	vor.u32 v2, v21;
	v37 =	vor.u32 v6, v25;
	v27 =	vand.u32 $0xFFFFFF80, v27;
	(xrf1) =	vsort.ascd.msk.u32 $0xffff, v30, v30;
	v30, _, _ =	vpop (xrf1)  }
0xab: {  	v27 =	vor.u32 v9, v27;
	v36, _, _ =	vpop (xrf1);
	(xrf1) =	vsort.ascd.msk.u32 $0xffff, v37, v37;
	[tilespmem:v17+s18+$0x0] =	vst.idx.msk $0xffff, v20;
	v17 =	vmov v24  }
0xac: {  	v20 =	vand.u32 $0xFFFFFF80, v28;
	(xrf1) =	vsort.dscd.msk.u32 $0xffff, v27, v27;
	v24 =	vld.idx.msk [tilespmem:v29+s11+$0x0], $0xffff;
	v25, _, _ =	vpop (xrf1)  }
0xad: {  	v27 =	vor.u32 v0, v21;
	v20 =	vor.u32 v15, v20;
	v28, _, _ =	vpop (xrf1);
	v25 =	vmin.u32 v30, v25  }
0xae: {  	v29 =	vor.u32 v1, v21;
	v30 =	vor.u32 v3, v21;
	v37, _, _ =	vpop (xrf1);
	(xrf1) =	vsort.ascd.msk.u32 $0xffff, v33, v33;
	v33 =	vand.u32 $0x7F, v25  }
0xaf: {  	v22 =	vand.u32 $0xFFFFFF80, v22;
	v26 =	vand.u32 $0xFFFFFF80, v26;
	v32 =	vld.idx.msk [tilespmem:v32+s3+$0x0], $0xffff;
	v36 =	vmin.u32 v36, v37;
	v37, _, _ =	vpop (xrf1);
	[tilespmem:v18+s17+$0x0] =	vst.idx.msk $0xffff, v31  }
0xb0: {  	v22 =	vor.u32 v12, v22;
	v31 =	vld.idx.msk [tilespmem:v35+s3+$0x0], $0xffff;
	v35 =	vor.u32 v4, v21;
	v38, _, _ =	vpop (xrf1);
	(xrf1) =	vsort.ascd.msk.u32 $0xffff, v36, v36  }
0xb1: {  	v26 =	vor.u32 v13, v26;
	v36 =	vor.u32 v7, v21;
	v21 =	vor.u32 v8, v21;
	v39, _, _ =	vpop (xrf1)  }
0xb2: {  	v40 =	vld.idx.msk [tilespmem:v27+s3+$0x0], $0xffff;
	v41, _, _ =	vpop (xrf1);
	(xrf1) =	vsort.dscd.msk.u32 $0xffff, v20, v20;
	[tilespmem:v18+s18+$0x0] =	vst.idx.msk $0xffff, v24;
	v18 =	vmov v23  }
0xb3: {  	v20 =	vmin.u32 v34, v28;
	v23, _, _ =	vpop (xrf1);
	(xrf1) =	vsort.dscd.msk.u32 $0xffff, v26, v26;
	v24 =	vld.idx.msk [tilespmem:v33+s11+$0x0], $0xffff  }
0xb4: {  	v26 =	vld.idx.msk [tilespmem:v30+s3+$0x0], $0xffff;
	v28, _, _ =	vpop (xrf1);
	(xrf1) =	vsort.dscd.msk.u32 $0xffff, v20, v20;
	[tilespmem:v19+s17+$0x0] =	vst.idx.msk $0xffff, v25  }
0xb5: {  	v25 =	vand.u32 $0xFFFFFF80, v32;
	v20 =	vld.idx.msk [tilespmem:v29+s3+$0x0], $0xffff;
	v29 =	vmin.u32 v38, v39;
	v30, _, _ =	vpop (xrf1);
	(xrf1) =	vsort.ascd.msk.u32 $0xffff, v22, v22  }
0xb6: {  	v25 =	vor.u32 v13, v25;
	v22 =	vld.idx.msk [tilespmem:v35+s3+$0x0], $0xffff;
	v30 =	vmin.u32 v30, v37;
	v32, _, _ =	vpop (xrf1);
	(xrf1) =	vsort.dscd.msk.u32 $0xffff, v29, v29  }
0xb7: {  	v33 =	vand.u32 $0xFFFFFF80, v31;
	v21 =	vld.idx.msk [tilespmem:v21+s3+$0x0], $0xffff;
	v34 =	vmin.u32 v28, v32;
	(xrf1) =	vsort.ascd.msk.u32 $0xffff, v30, v30;
	v28, _, _ =	vpop (xrf1)  }
0xb8: {  	v31 =	vor.u32 v10, v33;
	v30 =	vld.idx.msk [tilespmem:v36+s3+$0x0], $0xffff;
	(xrf1) =	vsort.dscd.msk.u32 $0xffff, v25, v25;
	v32, _, _ =	vpop (xrf1)  }
0xb9: {  	v25 =	vand.u32 $0xFFFFFF80, v40;
	(xrf1) =	vsort.ascd.msk.u32 $0xffff, v31, v31;
	v29, _, _ =	vpop (xrf1);
	[tilespmem:v19+s18+$0x0] =	vst.idx.msk $0xffff, v24;
	v19 =	vmov v27  }
0xba: {  	v27 =	vor.u32 v6, v25;
	v25 =	vand.u32 $0xFFFFFF80, v26;
	v26, _, _ =	vpop (xrf1)  }
0xbb: {  	v20 =	vand.u32 $0xFFFFFF80, v20;
	v25 =	vor.u32 v11, v25;
	v26 =	vmin.u32 v29, v26;
	(xrf1) =	vsort.ascd.msk.u32 $0xffff, v27, v27  }
0xbc: {  	v20 =	vor.u32 v9, v20;
	v22 =	vand.u32 $0xFFFFFF80, v22;
	(xrf1) =	vsort.dscd.msk.u32 $0xffff, v25, v25;
	v24, _, _ =	vpop (xrf1)  }
0xbd: {  	v22 =	vor.u32 v12, v22;
	v25 =	vand.u32 $0xFFFFFF80, v21;
	v27 =	vmin.u32 v24, v28;
	(xrf1) =	vsort.dscd.msk.u32 $0xffff, v20, v20  }
0xbe: {  	s28 =	sadd.s32 $0x1, s26;
	s29 =	sadd.s32 $0x2, s26;
	v21 =	vmov s26;
	s26 =	sadd.s32 $0x3, s26;
	v20 =	vand.u32 $0xFFFFFF80, v30;
	(xrf1) =	vsort.ascd.msk.u32 $0xffff, v22, v22;
	v24, _, _ =	vpop (xrf1)  }
0xbf: {  	v28 =	vmov s29;
	v25 =	vor.u32 v15, v25;
	v22 =	vmov s28;
	(xrf1) =	vsort.ascd.msk.u32 $0xffff, v26, v26  }
0xc0: {  	v30 =	vmin.u32 v41, v23;
	v29 =	vshll.u32 v28, $0x3;
	v26 =	vshll.u32 v22, $0x3;
	(xrf1) =	vsort.dscd.msk.u32 $0xffff, v25, v25;
	v35, _, _ =	vpop (xrf1)  }
.Ltmp0:
0xc1: {  	v20 =	vor.u32 v14, v20;
	v23 =	vand.u32 $0x400, v29;
	v26 =	vand.u32 $0x400, v26;
	v31, _, _ =	vpop (xrf1);
	(xrf1) =	vsort.dscd.msk.u32 $0xffff, v27, v27;
	(pc) =	sbr.rel @p0 .LBB2_3-.Ltmp0, $4  }
0xc2: {  	v29 =	vshll.u32 v21, $0x3;
	v22 =	vand.u32 $0x7D, v22;
	v25 =	vand.u32 $0x7E, v28;
	(xrf1) =	vsort.ascd.msk.u32 $0xffff, v20, v20;
	v33, _, _ =	vpop (xrf1)  }
0xc3: {  	v28 =	vor.u32 v22, v26;
	v27 =	vmov s26;
	v35 =	vmin.u32 v32, v35;
	(xrf1) =	vsort.ascd.msk.u32 $0xffff, v30, v30;
	v37, _, _ =	vpop (xrf1)  }
0xc4: {  	v26 =	vor.u32 v1, v28;
	v36 =	vor.u32 v4, v28;
	v30 =	vor.u32 v3, v28;
	v32, _, _ =	vpop (xrf1)  }
0xc5: {  	v22 =	vand.u32 $0x400, v29;
	v20 =	vor.u32 v0, v28;
	v29 =	vor.u32 v2, v28;
	(xrf1) =	vsort.dscd.msk.u32 $0xffff, v34, v34;
	v34, _, _ =	vpop (xrf1)  }
0xc6: {  	_ = 	snop  }
0xc7: {  	v38, _, _ =	vpop (xrf1)  }
0xc8: {  	v39, _, _ =	vpop (xrf1)  }
0xc9: {  	v31 =	vmin.u32 v37, v31;
	v40, _, _ =	vpop (xrf1);
	(xrf1) =	vsort.dscd.msk.u32 $0xffff, v35, v35  }
0xca: {  	v24 =	vmin.u32 v24, v33;
	v41, _, _ =	vpop (xrf1);
	(xrf1) =	vsort.ascd.msk.u32 $0xffff, v31, v31  }
0xcb: {  	v47, _, _ =	vpop (xrf1);
	(xrf1) =	vsort.dscd.msk.u32 $0xffff, v24, v24;
	v24 =	vmin.u32 v39, v41  }
0xcc: {  	v31 =	vld.idx.msk [tilespmem:v36+s3+$0x0], $0xffff;
	v48, _, _ =	vpop (xrf1)  }
0xcd: {  	v49 =	vor.u32 v8, v28;
	v30 =	vld.idx.msk [tilespmem:v30+s3+$0x0], $0xffff;
	v51 =	vor.u32 v5, v28;
	v50, _, _ =	vpop (xrf1)  }
0xce: {  	v28 =	vor.u32 v7, v28;
	v29 =	vld.idx.msk [tilespmem:v29+s3+$0x0], $0xffff;
	v35 =	vmin.u32 v40, v47;
	(xrf1) =	vsort.dscd.msk.u32 $0xffff, v24, v24;
	v24, _, _ =	vpop (xrf1)  }
0xcf: {  	v32 =	vmin.u32 v34, v32;
	v23 =	vor.u32 v25, v23;
	v25 =	vld.idx.msk [tilespmem:v26+s3+$0x0], $0xffff;
	(xrf1) =	vsort.ascd.msk.u32 $0xffff, v35, v35;
	v52, _, _ =	vpop (xrf1)  }
0xd0: {  	v26 =	vmin.u32 v48, v38;
	(xrf1) =	vsort.ascd.msk.u32 $0xffff, v32, v32;
	v53, _, _ =	vpop (xrf1)  }
0xd1: {  	v54 =	vld.idx.msk [tilespmem:v20+s3+$0x0], $0xffff;
	v31 =	vand.u32 $0xFFFFFF80, v31;
	(xrf1) =	vsort.ascd.msk.u32 $0xffff, v26, v26;
	v24 =	vmin.u32 v53, v24  }
0xd2: {  	v30 =	vand.u32 $0xFFFFFF80, v30;
	v26 =	vld.idx.msk [tilespmem:v49+s3+$0x0], $0xffff;
	v31 =	vor.u32 v12, v31;
	(xrf1) =	vsort.dscd.msk.u32 $0xffff, v24, v24  }
0xd3: {  	v55 =	vor.u32 v7, v23;
	v56 =	vld.idx.msk [tilespmem:v51+s3+$0x0], $0xffff;
	v24 =	vor.u32 v11, v30;
	(xrf1) =	vsort.ascd.msk.u32 $0xffff, v31, v31  }
0xd4: {  	v57 =	vor.u32 v5, v23;
	v29 =	vand.u32 $0xFFFFFF80, v29;
	v28 =	vld.idx.msk [tilespmem:v28+s3+$0x0], $0xffff;
	(xrf1) =	vsort.dscd.msk.u32 $0xffff, v24, v24;
	v24 =	vand.u32 $0xFFFFFF80, v25  }
0xd5: {  	v30 =	vor.u32 v4, v23;
	v31 =	vmin.u32 v50, v52;
	v25 =	vor.u32 v10, v29  }
0xd6: {  	v61 =	vor.u32 v2, v23;
	v29 =	vor.u32 v8, v23;
	(xrf1) =	vsort.ascd.msk.u32 $0xffff, v31, v31  }
0xd7: {  	v31 =	vand.u32 $0xFFFFFF80, v54;
	v58 =	vor.u32 v9, v24;
	v26 =	vand.u32 $0xFFFFFF80, v26;
	(xrf1) =	vsort.ascd.msk.u32 $0xffff, v25, v25;
	v24, _, _ =	vpop (xrf1)  }
0xd8: {  	v31 =	vor.u32 v6, v31;
	v26 =	vor.u32 v15, v26;
	(xrf1) =	vsort.dscd.msk.u32 $0xffff, v58, v58;
	v25, _, _ =	vpop (xrf1)  }
0xd9: {  	v63 =	vor.u32 v3, v23;
	v33 =	vld.idx.msk [tilespmem:v55+s3+$0x0], $0xffff;
	v59 =	vand.u32 $0xFFFFFF80, v56;
	v28 =	vand.u32 $0xFFFFFF80, v28;
	(xrf1) =	vsort.ascd.msk.u32 $0xffff, v31, v31;
	v60, _, _ =	vpop (xrf1)  }
0xda: {  	v32 =	vor.u32 v13, v59;
	v30 =	vld.idx.msk [tilespmem:v30+s3+$0x0], $0xffff;
	v31 =	vor.u32 v1, v23;
	(xrf1) =	vsort.dscd.msk.u32 $0xffff, v26, v26;
	v62, _, _ =	vpop (xrf1)  }
0xdb: {  	v34 =	vld.idx.msk [tilespmem:v57+s3+$0x0], $0xffff;
	v28 =	vor.u32 v14, v28;
	(xrf1) =	vsort.dscd.msk.u32 $0xffff, v32, v32;
	v26, _, _ =	vpop (xrf1)  }
0xdc: {  	v29 =	vld.idx.msk [tilespmem:v29+s3+$0x0], $0xffff;
	v35 =	vmin.u32 v62, v60;
	v40, _, _ =	vpop (xrf1)  }
0xdd: {  	v36 =	vld.idx.msk [tilespmem:v61+s3+$0x0], $0xffff;
	(xrf1) =	vsort.dscd.msk.u32 $0xffff, v35, v35;
	v41, _, _ =	vpop (xrf1)  }
0xde: {  	v42 =	vshll.u32 v27, $0x3;
	v27 =	vand.u32 $0x7F, v27;
	v33 =	vand.u32 $0xFFFFFF80, v33;
	v32 =	vld.idx.msk [tilespmem:v63+s3+$0x0], $0xffff;
	(xrf1) =	vsort.ascd.msk.u32 $0xffff, v28, v28;
	v28, _, _ =	vpop (xrf1)  }
0xdf: {  	v33 =	vor.u32 v14, v33;
	v23 =	vor.u32 v0, v23;
	v30 =	vand.u32 $0xFFFFFF80, v30;
	v31 =	vld.idx.msk [tilespmem:v31+s3+$0x0], $0xffff;
	v43, _, _ =	vpop (xrf1)  }
0xe0: {  	v35 =	vand.u32 $0x400, v42;
	v30 =	vor.u32 v12, v30;
	v37 =	vmin.u32 v41, v40;
	(xrf1) =	vsort.ascd.msk.u32 $0xffff, v33, v33;
	v44, _, _ =	vpop (xrf1)  }
0xe1: {  	v35 =	vor.u32 v27, v35;
	v27 =	vand.u32 $0xFFFFFF80, v29;
	(xrf1) =	vsort.ascd.msk.u32 $0xffff, v37, v37;
	v29 =	vmin.u32 v43, v44  }
0xe2: {  	(xrf1) =	vsort.ascd.msk.u32 $0xffff, v30, v30;
	v45, _, _ =	vpop (xrf1)  }
0xe3: {  	v46 =	vand.u32 $0xFFFFFF80, v34;
	v36 =	vand.u32 $0xFFFFFF80, v36;
	v27 =	vor.u32 v15, v27;
	v47, _, _ =	vpop (xrf1);
	(xrf1) =	vsort.dscd.msk.u32 $0xffff, v29, v29  }
0xe4: {  	v33 =	vor.u32 v13, v46;
	v30 =	vor.u32 v3, v35;
	v31 =	vand.u32 $0xFFFFFF80, v31;
	(xrf1) =	vsort.dscd.msk.u32 $0xffff, v27, v27;
	v29, _, _ =	vpop (xrf1)  }
0xe5: {  	v49 =	vld.idx.msk [tilespmem:v23+s3+$0x0], $0xffff;
	v48 =	vor.u32 v7, v35;
	v31 =	vor.u32 v9, v31;
	(xrf1) =	vsort.dscd.msk.u32 $0xffff, v33, v33;
	v50, _, _ =	vpop (xrf1)  }
0xe6: {  	v51 =	vor.u32 v10, v36;
	v32 =	vand.u32 $0xFFFFFF80, v32;
	v27 =	vor.u32 v0, v35;
	v52, _, _ =	vpop (xrf1);
	(xrf1) =	vsort.dscd.msk.u32 $0xffff, v31, v31  }
0xe7: {  	v32 =	vor.u32 v11, v32;
	v31 =	vor.u32 v1, v35;
	v53, _, _ =	vpop (xrf1);
	(xrf1) =	vsort.ascd.msk.u32 $0xffff, v51, v51  }
0xe8: {  	v36 =	vmin.u32 v53, v52;
	v55, _, _ =	vpop (xrf1);
	(xrf1) =	vsort.dscd.msk.u32 $0xffff, v32, v32  }
0xe9: {  	v54 =	vor.u32 v2, v35;
	v56 =	vld.idx.msk [tilespmem:v30+s3+$0x0], $0xffff;
	v30 =	vmin.u32 v50, v47;
	v57, _, _ =	vpop (xrf1);
	(xrf1) =	vsort.ascd.msk.u32 $0xffff, v36, v36  }
0xea: {  	v58 =	vand.u32 $0xFFFFFF80, v49;
	v38 =	vld.idx.msk [tilespmem:v48+s3+$0x0], $0xffff;
	v34 =	vmin.u32 v45, v57;
	(xrf1) =	vsort.dscd.msk.u32 $0xffff, v30, v30  }
0xeb: {  	v59 =	vld.idx.msk [tilespmem:v27+s3+$0x0], $0xffff;
	v36 =	vor.u32 v6, v58;
	(xrf1) =	vsort.ascd.msk.u32 $0xffff, v34, v34  }
0xec: {  	v42 =	vor.u32 v8, v35;
	v30, _, _ =	vpop (xrf1);
	v31 =	vld.idx.msk [tilespmem:v31+s3+$0x0], $0xffff;
	(xrf1) =	vsort.ascd.msk.u32 $0xffff, v36, v36  }
0xed: {  	v21 =	vand.u32 $0x7C, v21;
	v60 =	vor.u32 v5, v35;
	v61, _, _ =	vpop (xrf1)  }
0xee: {  	v48 =	vor.u32 v21, v22;
	v63, _, _ =	vpop (xrf1)  }
0xef: {  	v33 =	vld.idx.msk [tilespmem:v54+s3+$0x0], $0xffff;
	v35 =	vor.u32 v4, v35;
	v32 =	vand.u32 $0xFFFFFF80, v56;
	v36 =	vmin.u32 v61, v55;
	v22, _, _ =	vpop (xrf1)  }
0xf0: {  	v50 =	vor.u32 v5, v48;
	v38 =	vand.u32 $0xFFFFFF80, v38;
	v32 =	vor.u32 v11, v32;
	(xrf1) =	vsort.dscd.msk.u32 $0xffff, v36, v36;
	v51, _, _ =	vpop (xrf1)  }
0xf1: {  	v62 =	vld.idx.msk [tilespmem:v42+s3+$0x0], $0xffff;
	v21 =	vor.u32 v14, v38;
	v49 =	vand.u32 $0xFFFFFF80, v59;
	(xrf1) =	vsort.dscd.msk.u32 $0xffff, v32, v32;
	v52 =	vand.u32 $0xFFFFFF80, v31;
	v31, _, _ =	vpop (xrf1)  }
0xf2: {  	v43 =	vor.u32 v3, v48;
	v34 =	vld.idx.msk [tilespmem:v60+s3+$0x0], $0xffff;
	v36 =	vor.u32 v6, v49;
	(xrf1) =	vsort.ascd.msk.u32 $0xffff, v21, v21;
	v54, _, _ =	vpop (xrf1)  }
0xf3: {  	v53 =	vor.u32 v2, v48;
	(xrf1) =	vsort.ascd.msk.u32 $0xffff, v36, v36;
	v21 =	vor.u32 v9, v52;
	v56, _, _ =	vpop (xrf1)  }
0xf4: {  	v33 =	vand.u32 $0xFFFFFF80, v33;
	v35 =	vld.idx.msk [tilespmem:v35+s3+$0x0], $0xffff;
	(xrf1) =	vsort.dscd.msk.u32 $0xffff, v21, v21;
	v21 =	vor.u32 v0, v48;
	v44, _, _ =	vpop (xrf1)  }
0xf5: {  	v58 =	vor.u32 v4, v48;
	v33 =	vor.u32 v10, v33;
	v45 =	vor.u32 v1, v48;
	v57, _, _ =	vpop (xrf1)  }
0xf6: {  	v37 =	vld.idx.msk [tilespmem:v50+s3+$0x0], $0xffff;
	v55 =	vand.u32 $0xFFFFFF80, v62;
	v32 =	vmin.u32 v51, v56;
	(xrf1) =	vsort.ascd.msk.u32 $0xffff, v33, v33;
	v59, _, _ =	vpop (xrf1)  }
0xf7: {  	v62 =	vld.idx.msk [tilespmem:v43+s3+$0x0], $0xffff;
	v38 =	vor.u32 v15, v55;
	v34 =	vand.u32 $0xFFFFFF80, v34;
	(xrf1) =	vsort.ascd.msk.u32 $0xffff, v32, v32;
	v46, _, _ =	vpop (xrf1)  }
0xf8: {  	v60 =	vor.u32 v8, v48;
	v42 =	vld.idx.msk [tilespmem:v53+s3+$0x0], $0xffff;
	v34 =	vor.u32 v13, v34;
	(xrf1) =	vsort.dscd.msk.u32 $0xffff, v38, v38;
	v40, _, _ =	vpop (xrf1)  }
0xf9: {  	v35 =	vand.u32 $0xFFFFFF80, v35;
	v36 =	vmin.u32 v63, v54;
	v47 =	vld.idx.msk [tilespmem:v21+s3+$0x0], $0xffff;
	(xrf1) =	vsort.dscd.msk.u32 $0xffff, v34, v34;
	v43, _, _ =	vpop (xrf1)  }
0xfa: {  	v61 =	vor.u32 v12, v35;
	v63 =	vor.u32 v7, v48;
	(xrf1) =	vsort.dscd.msk.u32 $0xffff, v36, v36;
	v48, _, _ =	vpop (xrf1)  }
0xfb: {  	v45 =	vld.idx.msk [tilespmem:v45+s3+$0x0], $0xffff;
	v32 =	vmin.u32 v57, v59;
	(xrf1) =	vsort.ascd.msk.u32 $0xffff, v61, v61;
	v33 =	vmin.u32 v48, v44  }
0xfc: {  	v50 =	vld.idx.msk [tilespmem:v58+s3+$0x0], $0xffff;
	v49 =	vand.u32 $0xFFFFFF80, v37;
	(xrf1) =	vsort.dscd.msk.u32 $0xffff, v32, v32  }
0xfd: {  	v52 =	vand.u32 $0xFFFFFF80, v42;
	v51 =	vor.u32 v13, v49;
	(xrf1) =	vsort.ascd.msk.u32 $0xffff, v33, v33  }
0xfe: {  	v38 =	vld.idx.msk [tilespmem:v60+s3+$0x0], $0xffff;
	v34 =	vor.u32 v10, v52;
	v53 =	vand.u32 $0xFFFFFF80, v47;
	(xrf1) =	vsort.dscd.msk.u32 $0xffff, v51, v51;
	v33, _, _ =	vpop (xrf1)  }
0xff: {  	v55 =	vand.u32 $0xFFFFFF80, v62;
	v32 =	vor.u32 v6, v53;
	(xrf1) =	vsort.ascd.msk.u32 $0xffff, v34, v34;
	v54, _, _ =	vpop (xrf1)  }
0x100: {  	v41 =	vand.u32 $0xFFFFFF80, v45;
	v56 =	vld.idx.msk [tilespmem:v63+s3+$0x0], $0xffff;
	v34 =	vor.u32 v11, v55;
	(xrf1) =	vsort.ascd.msk.u32 $0xffff, v32, v32;
	v57, _, _ =	vpop (xrf1)  }
0x101: {  	v37 =	vand.u32 $0xFFFFFF80, v50;
	v41 =	vor.u32 v9, v41;
	(xrf1) =	vsort.dscd.msk.u32 $0xffff, v34, v34;
	v58, _, _ =	vpop (xrf1)  }
0x102: {  	v37 =	vor.u32 v12, v37;
	(xrf1) =	vsort.dscd.msk.u32 $0xffff, v41, v41;
	v59, _, _ =	vpop (xrf1)  }
0x103: {  	v60 =	vand.u32 $0xFFFFFF80, v38;
	(xrf1) =	vsort.ascd.msk.u32 $0xffff, v37, v37;
	v32 =	vmin.u32 v58, v59  }
0x104: {  	v34 =	vor.u32 v15, v60;
	v61, _, _ =	vpop (xrf1);
	(xrf1) =	vsort.ascd.msk.u32 $0xffff, v32, v32  }
0x105: {  	v35 =	vand.u32 $0xFFFFFF80, v56;
	v62 =	vmin.u32 v61, v54;
	v63, _, _ =	vpop (xrf1);
	(xrf1) =	vsort.dscd.msk.u32 $0xffff, v34, v34  }
0x106: {  	v35 =	vor.u32 v14, v35;
	v48, _, _ =	vpop (xrf1);
	(xrf1) =	vsort.dscd.msk.u32 $0xffff, v62, v62  }
0x107: {  	v49, _, _ =	vpop (xrf1);
	(xrf1) =	vsort.ascd.msk.u32 $0xffff, v35, v35  }
0x108: {  	v50, _, _ =	vpop (xrf1)  }
0x109: {  	v51, _, _ =	vpop (xrf1)  }
0x10a: {  	v52, _, _ =	vpop (xrf1)  }
0x10b: {  	v53, _, _ =	vpop (xrf1)  }
0x10c: {  	v54, _, _ =	vpop (xrf1)  }
0x10d: {  	v40 =	vmin.u32 v46, v40;
	v55, _, _ =	vpop (xrf1)  }
0x10e: {  	v33 =	vmin.u32 v43, v33;
	(xrf1) =	vsort.ascd.msk.u32 $0xffff, v40, v40;
	v56, _, _ =	vpop (xrf1)  }
0x10f: {  	v34 =	vmin.u32 v57, v48;
	(xrf1) =	vsort.dscd.msk.u32 $0xffff, v33, v33;
	v57, _, _ =	vpop (xrf1)  }
0x110: {  	v32 =	vmin.u32 v51, v49;
	(xrf1) =	vsort.dscd.msk.u32 $0xffff, v34, v34;
	v58, _, _ =	vpop (xrf1)  }
0x111: {  	v35 =	vmin.u32 v63, v50;
	(xrf1) =	vsort.ascd.msk.u32 $0xffff, v32, v32;
	v59, _, _ =	vpop (xrf1)  }
0x112: {  	v33 =	vmin.u32 v55, v57;
	(xrf1) =	vsort.dscd.msk.u32 $0xffff, v35, v35;
	v60, _, _ =	vpop (xrf1)  }
0x113: {  	v34 =	vmin.u32 v56, v58;
	(xrf1) =	vsort.dscd.msk.u32 $0xffff, v33, v33;
	v61, _, _ =	vpop (xrf1)  }
0x114: {  	v62 =	vmin.u32 v53, v52;
	(xrf1) =	vsort.ascd.msk.u32 $0xffff, v34, v34;
	v63, _, _ =	vpop (xrf1)  }
0x115: {  	v32 =	vmin.u32 v59, v54;
	(xrf1) =	vsort.ascd.msk.u32 $0xffff, v62, v62;
	v43, _, _ =	vpop (xrf1)  }
0x116: {  	(xrf1) =	vsort.ascd.msk.u32 $0xffff, v32, v32;
	v33 =	vmin.u32 v43, v61  }
0x117: {  	(xrf1) =	vsort.dscd.msk.u32 $0xffff, v33, v33;
	_ =	sdelay $0x4  }
0x118: {  	v44, _, _ =	vpop (xrf1)  }
0x119: {  	v45, _, _ =	vpop (xrf1)  }
0x11a: {  	v46, _, _ =	vpop (xrf1)  }
0x11b: {  	v47, _, _ =	vpop (xrf1)  }
0x11c: {  	v48, _, _ =	vpop (xrf1)  }
0x11d: {  	v49, _, _ =	vpop (xrf1)  }
0x11e: {  	v50, _, _ =	vpop (xrf1)  }
0x11f: {  	v34 =	vmin.u32 v60, v63;
	v51, _, _ =	vpop (xrf1)  }
0x120: {  	(xrf1) =	vsort.ascd.msk.u32 $0xffff, v34, v34;
	v52 =	vmin.u32 v47, v46;
	v53, _, _ =	vpop (xrf1)  }
0x121: {  	(xrf1) =	vsort.dscd.msk.u32 $0xffff, v52, v52;
	v54 =	vmin.u32 v50, v49;
	v55, _, _ =	vpop (xrf1)  }
0x122: {  	(xrf1) =	vsort.ascd.msk.u32 $0xffff, v54, v54;
	v34 =	vmin.u32 v53, v55  }
0x123: {  	(xrf1) =	vsort.dscd.msk.u32 $0xffff, v34, v34  }
0x124: {  	v24 =	vmin.u32 v24, v25  }
0x125: {  	v25 =	vand.u32 $0x7F, v24  }
0x126: {  	v26 =	vmin.u32 v28, v26  }
0x127: {  	v28 =	vand.u32 $0x7F, v26  }
0x128: {  	v29 =	vmin.u32 v29, v30  }
0x129: {  	v30 =	vand.u32 $0x7F, v29  }
0x12a: {  	v25 =	vld.idx.msk [tilespmem:v25+s11+$0x0], $0xffff;
	v22 =	vmin.u32 v22, v31  }
0x12b: {  	v31 =	vand.u32 $0x7F, v22  }
0x12c: {  	v28 =	vld.idx.msk [tilespmem:v28+s11+$0x0], $0xffff;
	v32 =	vmin.u32 v44, v45  }
0x12d: {  	v33 =	vand.u32 $0x7F, v32  }
0x12e: {  	[tilespmem:v16+s17+$0x0] =	vst.idx.msk $0xffff, v24;
	v24 =	vld.idx.msk [tilespmem:v30+s11+$0x0], $0xffff;
	v30 =	vmin.u32 v51, v48;
	v56, _, _ =	vpop (xrf1)  }
0x12f: {  	[tilespmem:v16+s18+$0x0] =	vst.idx.msk $0xffff, v25;
	v16 =	vand.u32 $0x7F, v30;
	v25, _, _ =	vpop (xrf1)  }
0x130: {  	[tilespmem:v17+s17+$0x0] =	vst.idx.msk $0xffff, v26;
	v26 =	vld.idx.msk [tilespmem:v31+s11+$0x0], $0xffff;
	v25 =	vmin.u32 v56, v25;
	v31, _, _ =	vpop (xrf1)  }
0x131: {  	[tilespmem:v17+s18+$0x0] =	vst.idx.msk $0xffff, v28;
	v17 =	vand.u32 $0x7F, v25;
	v28, _, _ =	vpop (xrf1)  }
0x132: {  	[tilespmem:v18+s17+$0x0] =	vst.idx.msk $0xffff, v29;
	v29 =	vld.idx.msk [tilespmem:v33+s11+$0x0], $0xffff;
	v28 =	vmin.u32 v31, v28  }
0x133: {  	[tilespmem:v18+s18+$0x0] =	vst.idx.msk $0xffff, v24;
	v18 =	vand.u32 $0x7F, v28  }
0x134: {  	[tilespmem:v19+s17+$0x0] =	vst.idx.msk $0xffff, v22;
	v16 =	vld.idx.msk [tilespmem:v16+s11+$0x0], $0xffff  }
0x135: {  	[tilespmem:v19+s18+$0x0] =	vst.idx.msk $0xffff, v26  }
0x136: {  	[tilespmem:v20+s17+$0x0] =	vst.idx.msk $0xffff, v32;
	v17 =	vld.idx.msk [tilespmem:v17+s11+$0x0], $0xffff  }
0x137: {  	[tilespmem:v20+s18+$0x0] =	vst.idx.msk $0xffff, v29  }
0x138: {  	[tilespmem:v23+s17+$0x0] =	vst.idx.msk $0xffff, v30;
	v18 =	vld.idx.msk [tilespmem:v18+s11+$0x0], $0xffff  }
0x139: {  	[tilespmem:v23+s18+$0x0] =	vst.idx.msk $0xffff, v16  }
0x13a: {  	[tilespmem:v27+s17+$0x0] =	vst.idx.msk $0xffff, v25  }
0x13b: {  	[tilespmem:v27+s18+$0x0] =	vst.idx.msk $0xffff, v17  }
0x13c: {  	[tilespmem:v21+s17+$0x0] =	vst.idx.msk $0xffff, v28  }
0x13d: {  	s25 =	sadd.s32 s5, s24;
	[tilespmem:v21+s18+$0x0] =	vst.idx.msk $0xffff, v18  }
0x13e: {  	[hbm4b:s25+s13] =	stream.strided.scatter [tilespmem:s17], [sflag:$0x3], $0x1000, s14, s13, $0x38;
	[tilespmem:$0x12080] =	vst v63  }
0x13f: {  	_ =	swait.ge [sflag:s12], $0x1000  }
0x140: {  	s31 =	simm.s32 $0x1;
	[sflag:s12] =	ssyncset.done $0x0  }
0x141: {  	s30 =	sadd.s32 s7, s24;
	v16 =	vmov s31;
	[sflag:s12] =	ssyncadd.s32 $0xFFFFF000  }
0x142: {  	v17 =	vshll.u32 v16, $0x3;
	[hbm4b:s30+s13] =	stream.strided.scatter [tilespmem:s18], [sflag:$0x3], $0x1000, s14, s13, $0x38;
	[tilespmem:$0x12080] =	vst v63  }
0x143: {  	p0 =	seq.s32 s21, $0xF;
	v16 =	vand.u32 $0x7D, v16;
	v17 =	vand.u32 $0x400, v17;
	_ =	swait.ge [sflag:s12], $0x1000  }
0x144: {  	s23 =	sadd.s32 @!p0 s23, s9;
	s24 =	simm.s32 @!p0 $0x800;
	v17 =	vor.u32 v16, v17;
	[sflag:s12] =	ssyncset.done $0x0  }
0x145: {  	s26 =	simm.s32 @!p0 $0x0;
	v18 =	vor.u32 v4, v17;
	s25 =	simm.s32 @!p0 $0x200000;
	[sflag:s12] =	ssyncadd.s32 $0xFFFFF000  }
0x146: {  	v19 =	vor.u32 v3, v17;
	[tilespmem:s26], [sflag:$0x1] =	stream.strided.gather @!p0 [hbm4b:s23+s24], $0x8000, s25, s24, $0x38;
	[tilespmem:$0x12080] =	vst v63  }
0x147: {  	v20 =	vor.u32 v2, v17;
	_ =	swait.ge [sflag:s19], $0x8000  }
0x148: {  	v21 =	vor.u32 v1, v17;
	[sflag:s19] =	ssyncset.done $0x0  }
0x149: {  	v16 =	vor.u32 v0, v17;
	[sflag:s19] =	ssyncadd.s32 $0xFFFF8000  }
0x14a: {  	v22 =	vor.u32 v8, v17;
	v18 =	vld.idx.msk [tilespmem:v18+s15+$0x0], $0xffff  }
0x14b: {  	v23 =	vor.u32 v5, v17;
	v19 =	vld.idx.msk [tilespmem:v19+s15+$0x0], $0xffff  }
0x14c: {  	v17 =	vor.u32 v7, v17;
	v20 =	vld.idx.msk [tilespmem:v20+s15+$0x0], $0xffff  }
0x14d: {  	s24 =	simm.s32 $0x2;
	v21 =	vld.idx.msk [tilespmem:v21+s15+$0x0], $0xffff  }
0x14e: {  	v24 =	vmov s24;
	v26 =	vld.idx.msk [tilespmem:v16+s15+$0x0], $0xffff  }
0x14f: {  	v25 =	vshll.u32 v24, $0x3;
	v22 =	vld.idx.msk [tilespmem:v22+s15+$0x0], $0xffff  }
0x150: {  	v24 =	vand.u32 $0x7E, v24;
	v25 =	vand.u32 $0x400, v25;
	v23 =	vld.idx.msk [tilespmem:v23+s15+$0x0], $0xffff;
	v18 =	vand.u32 $0xFFFFFF80, v18  }
0x151: {  	v24 =	vor.u32 v24, v25;
	v17 =	vld.idx.msk [tilespmem:v17+s15+$0x0], $0xffff;
	v19 =	vand.u32 $0xFFFFFF80, v19;
	v18 =	vor.u32 v12, v18  }
0x152: {  	v20 =	vand.u32 $0xFFFFFF80, v20;
	v19 =	vor.u32 v11, v19;
	(xrf1) =	vsort.ascd.msk.u32 $0xffff, v18, v18;
	v18 =	vor.u32 v7, v24  }
0x153: {  	v25 =	vor.u32 v4, v24;
	v21 =	vand.u32 $0xFFFFFF80, v21;
	v20 =	vor.u32 v10, v20;
	(xrf1) =	vsort.dscd.msk.u32 $0xffff, v19, v19  }
0x154: {  	v26 =	vand.u32 $0xFFFFFF80, v26;
	v21 =	vor.u32 v9, v21;
	v19 =	vor.u32 v8, v24;
	(xrf1) =	vsort.ascd.msk.u32 $0xffff, v20, v20  }
0x155: {  	v22 =	vand.u32 $0xFFFFFF80, v22;
	v20 =	vor.u32 v6, v26;
	(xrf1) =	vsort.dscd.msk.u32 $0xffff, v21, v21;
	v21 =	vor.u32 v5, v24  }
0x156: {  	v23 =	vand.u32 $0xFFFFFF80, v23;
	v22 =	vor.u32 v15, v22;
	(xrf1) =	vsort.ascd.msk.u32 $0xffff, v20, v20;
	v20 =	vor.u32 v1, v24  }
0x157: {  	v23 =	vor.u32 v13, v23;
	(xrf1) =	vsort.dscd.msk.u32 $0xffff, v22, v22;
	v18 =	vld.idx.msk [tilespmem:v18+s15+$0x0], $0xffff  }
0x158: {  	v22 =	vor.u32 v2, v24;
	(xrf1) =	vsort.dscd.msk.u32 $0xffff, v23, v23;
	v23 =	vld.idx.msk [tilespmem:v25+s15+$0x0], $0xffff  }
0x159: {  	s25 =	simm.s32 $0x3;
	v19 =	vld.idx.msk [tilespmem:v19+s15+$0x0], $0xffff  }
0x15a: {  	v17 =	vand.u32 $0xFFFFFF80, v17;
	v26 =	vmov s25;
	v25 =	vor.u32 v3, v24;
	v21 =	vld.idx.msk [tilespmem:v21+s15+$0x0], $0xffff  }
0x15b: {  	v17 =	vor.u32 v14, v17;
	v27 =	vshll.u32 v26, $0x3;
	v20 =	vld.idx.msk [tilespmem:v20+s15+$0x0], $0xffff  }
0x15c: {  	v26 =	vand.u32 $0x7F, v26;
	(xrf1) =	vsort.ascd.msk.u32 $0xffff, v17, v17;
	v17 =	vor.u32 v0, v24;
	v18 =	vand.u32 $0xFFFFFF80, v18  }
0x15d: {  	v24 =	vand.u32 $0x400, v27;
	v22 =	vld.idx.msk [tilespmem:v22+s15+$0x0], $0xffff;
	v23 =	vand.u32 $0xFFFFFF80, v23;
	v18 =	vor.u32 v14, v18  }
0x15e: {  	v24 =	vor.u32 v26, v24;
	v19 =	vand.u32 $0xFFFFFF80, v19;
	v23 =	vor.u32 v12, v23;
	(xrf1) =	vsort.ascd.msk.u32 $0xffff, v18, v18  }
0x15f: {  	v25 =	vld.idx.msk [tilespmem:v25+s15+$0x0], $0xffff;
	v19 =	vor.u32 v15, v19;
	v18 =	vand.u32 $0xFFFFFF80, v21;
	(xrf1) =	vsort.ascd.msk.u32 $0xffff, v23, v23  }
0x160: {  	v26 =	vor.u32 v3, v24;
	v18 =	vor.u32 v13, v18;
	v20 =	vand.u32 $0xFFFFFF80, v20;
	(xrf1) =	vsort.dscd.msk.u32 $0xffff, v19, v19  }
0x161: {  	v23 =	vor.u32 v7, v24;
	v21, _, _ =	vpop (xrf1);
	v20 =	vor.u32 v9, v20;
	(xrf1) =	vsort.dscd.msk.u32 $0xffff, v18, v18  }
0x162: {  	v19 =	vld.idx.msk [tilespmem:v17+s15+$0x0], $0xffff;
	v27, _, _ =	vpop (xrf1);
	v22 =	vand.u32 $0xFFFFFF80, v22;
	(xrf1) =	vsort.dscd.msk.u32 $0xffff, v20, v20;
	v20 =	vor.u32 v1, v24  }
0x163: {  	v18 =	vor.u32 v0, v24;
	v28, _, _ =	vpop (xrf1);
	v22 =	vor.u32 v10, v22  }
0x164: {  	v25 =	vand.u32 $0xFFFFFF80, v25;
	v29, _, _ =	vpop (xrf1);
	(xrf1) =	vsort.ascd.msk.u32 $0xffff, v22, v22;
	v22 =	vor.u32 v2, v24  }
0x165: {  	v26 =	vld.idx.msk [tilespmem:v26+s15+$0x0], $0xffff;
	v25 =	vor.u32 v11, v25;
	v30, _, _ =	vpop (xrf1)  }
0x166: {  	(xrf1) =	vsort.dscd.msk.u32 $0xffff, v25, v25;
	v25 =	vor.u32 v8, v24;
	v23 =	vld.idx.msk [tilespmem:v23+s15+$0x0], $0xffff;
	v29 =	vmin.u32 v30, v29;
	v30, _, _ =	vpop (xrf1)  }
0x167: {  	s26 =	simm.s32 $0x0;
	v27 =	vmin.u32 v28, v27;
	v19 =	vand.u32 $0xFFFFFF80, v19;
	v28, _, _ =	vpop (xrf1);
	(xrf1) =	vsort.ascd.msk.u32 $0xffff, v29, v29;
	v20 =	vld.idx.msk [tilespmem:v20+s15+$0x0], $0xffff  }
0x168: {  	v19 =	vor.u32 v6, v19;
	v21 =	vmin.u32 v21, v28;
	(xrf1) =	vsort.dscd.msk.u32 $0xffff, v27, v27;
	v27 =	vmov s26;
	v28 =	vld.idx.msk [tilespmem:v18+s15+$0x0], $0xffff  }
0x169: {  	v29 =	vor.u32 v5, v24;
	(xrf1) =	vsort.ascd.msk.u32 $0xffff, v21, v21;
	v21 =	vshll.u32 v27, $0x3;
	v22 =	vld.idx.msk [tilespmem:v22+s15+$0x0], $0xffff  }
0x16a: {  	(xrf1) =	vsort.ascd.msk.u32 $0xffff, v19, v19;
	v19 =	vand.u32 $0x400, v21;
	v21 =	vor.u32 v4, v24;
	v24 =	vand.u32 $0xFFFFFF80, v26;
	v26, _, _ =	vpop (xrf1)  }
0x16b: {  	v27 =	vand.u32 $0x7C, v27;
	v23 =	vand.u32 $0xFFFFFF80, v23;
	v25 =	vld.idx.msk [tilespmem:v25+s15+$0x0], $0xffff;
	v26 =	vmin.u32 v26, v30  }
0x16c: {  	v24 =	vor.u32 v11, v24;
	v27 =	vor.u32 v27, v19;
	(xrf1) =	vsort.dscd.msk.u32 $0xffff, v26, v26;
	v20 =	vand.u32 $0xFFFFFF80, v20  }
0x16d: {  	v19 =	vor.u32 v14, v23;
	v23 =	vand.u32 $0xFFFFFF80, v28;
	v28, _, _ =	vpop (xrf1);
	(xrf1) =	vsort.dscd.msk.u32 $0xffff, v24, v24;
	v20 =	vor.u32 v9, v20  }
0x16e: {  	v24 =	vld.idx.msk [tilespmem:v29+s15+$0x0], $0xffff;
	v23 =	vor.u32 v6, v23;
	(xrf1) =	vsort.ascd.msk.u32 $0xffff, v19, v19;
	v29, _, _ =	vpop (xrf1);
	v19 =	vand.u32 $0xFFFFFF80, v22  }
0x16f: {  	v26 =	vor.u32 v5, v27;
	(xrf1) =	vsort.ascd.msk.u32 $0xffff, v23, v23;
	v22, _, _ =	vpop (xrf1);
	v23 =	vor.u32 v10, v19  }
0x170: {  	v30 =	vor.u32 v2, v27;
	(xrf1) =	vsort.dscd.msk.u32 $0xffff, v20, v20;
	v20, _, _ =	vpop (xrf1)  }
0x171: {  	v21 =	vld.idx.msk [tilespmem:v21+s15+$0x0], $0xffff;
	v20 =	vmin.u32 v29, v20  }
0x172: {  	v19 =	vor.u32 v0, v27;
	(xrf1) =	vsort.ascd.msk.u32 $0xffff, v23, v23;
	v23, _, _ =	vpop (xrf1)  }
0x173: {  	v31 =	vor.u32 v3, v27;
	v57 =	vor.u32 v1, v27;
	v25 =	vand.u32 $0xFFFFFF80, v25;
	v29, _, _ =	vpop (xrf1)  }
0x174: {  	v25 =	vor.u32 v15, v25;
	v26 =	vld.idx.msk [tilespmem:v26+s15+$0x0], $0xffff;
	v24 =	vand.u32 $0xFFFFFF80, v24;
	(xrf1) =	vsort.ascd.msk.u32 $0xffff, v20, v20;
	v20, _, _ =	vpop (xrf1)  }
0x175: {  	v58 =	vor.u32 v4, v27;
	v24 =	vor.u32 v13, v24;
	v59, _, _ =	vpop (xrf1);
	(xrf1) =	vsort.dscd.msk.u32 $0xffff, v25, v25;
	v25 =	vld.idx.msk [tilespmem:v30+s15+$0x0], $0xffff  }
0x176: {  	v22 =	vmin.u32 v28, v22;
	v21 =	vand.u32 $0xFFFFFF80, v21;
	v30 =	vor.u32 v8, v27;
	v28, _, _ =	vpop (xrf1);
	(xrf1) =	vsort.dscd.msk.u32 $0xffff, v24, v24  }
0x177: {  	v21 =	vor.u32 v12, v21;
	v24 =	vor.u32 v7, v27;
	v27 =	vld.idx.msk [tilespmem:v19+s15+$0x0], $0xffff;
	v60, _, _ =	vpop (xrf1);
	(xrf1) =	vsort.dscd.msk.u32 $0xffff, v22, v22  }
0x178: {  	v20 =	vmin.u32 v29, v20;
	v22 =	vld.idx.msk [tilespmem:v31+s15+$0x0], $0xffff;
	v29, _, _ =	vpop (xrf1);
	(xrf1) =	vsort.ascd.msk.u32 $0xffff, v21, v21  }
0x179: {  	v21 =	vld.idx.msk [tilespmem:v57+s15+$0x0], $0xffff;
	v23 =	vmin.u32 v29, v23;
	(xrf1) =	vsort.dscd.msk.u32 $0xffff, v20, v20;
	v20 =	vand.u32 $0xFFFFFF80, v26  }
0x17a: {  	v26 =	vld.idx.msk [tilespmem:v58+s15+$0x0], $0xffff;
	(xrf1) =	vsort.ascd.msk.u32 $0xffff, v23, v23;
	v20 =	vor.u32 v13, v20;
	v25 =	vand.u32 $0xFFFFFF80, v25  }
0x17b: {  	v29 =	vld.idx.msk [tilespmem:v30+s15+$0x0], $0xffff;
	v25 =	vor.u32 v10, v25;
	(xrf1) =	vsort.dscd.msk.u32 $0xffff, v20, v20  }
0x17c: {  	v24 =	vld.idx.msk [tilespmem:v24+s15+$0x0], $0xffff;
	v20 =	vand.u32 $0xFFFFFF80, v27;
	v23, _, _ =	vpop (xrf1);
	(xrf1) =	vsort.ascd.msk.u32 $0xffff, v25, v25  }
0x17d: {  	v20 =	vor.u32 v6, v20;
	v22 =	vand.u32 $0xFFFFFF80, v22;
	v30, _, _ =	vpop (xrf1)  }
0x17e: {  	v21 =	vand.u32 $0xFFFFFF80, v21;
	v22 =	vor.u32 v11, v22;
	(xrf1) =	vsort.ascd.msk.u32 $0xffff, v20, v20;
	v61, _, _ =	vpop (xrf1)  }
0x17f: {  	s28 =	simm.s32 $0x4;
	s29 =	simm.s32 $0x5;
	v62 =	vmin.u32 v60, v23;
	v21 =	vor.u32 v9, v21;
	v23 =	vand.u32 $0xFFFFFF80, v26;
	(xrf1) =	vsort.dscd.msk.u32 $0xffff, v22, v22;
	v25, _, _ =	vpop (xrf1)  }
0x180: {  	v27 =	vmov s29;
	v23 =	vor.u32 v12, v23;
	(xrf1) =	vsort.dscd.msk.u32 $0xffff, v21, v21;
	v21 =	vmov s28;
	v20, _, _ =	vpop (xrf1)  }
0x181: {  	s30 =	simm.s32 $0x6;
	v26 =	vand.u32 $0xFFFFFF80, v24;
	(xrf1) =	vsort.ascd.msk.u32 $0xffff, v23, v23;
	v20 =	vmin.u32 v25, v20;
	v22, _, _ =	vpop (xrf1);
	v25 =	vand.u32 $0xFFFFFF80, v29  }
0x182: {  	v29 =	vmov s30;
	v26 =	vor.u32 v14, v26;
	v24, _, _ =	vpop (xrf1);
	v23 =	vor.u32 v15, v25;
	(xrf1) =	vsort.ascd.msk.u32 $0xffff, v20, v20  }
0x183: {  	v22 =	vmin.u32 v22, v30;
	v20 =	vshll.u32 v27, $0x3;
	v25 =	vshll.u32 v29, $0x3;
	(xrf1) =	vsort.dscd.msk.u32 $0xffff, v23, v23;
	v63, _, _ =	vpop (xrf1)  }
0x184: {  	v30 =	vmin.u32 v59, v28;
	v27 =	vand.u32 $0x7D, v27;
	v20 =	vand.u32 $0x400, v20;
	v31, _, _ =	vpop (xrf1);
	(xrf1) =	vsort.dscd.msk.u32 $0xffff, v22, v22  }
0x185: {  	s31 =	simm.s32 $0x7;
	v23 =	vand.u32 $0x400, v25;
	v25 =	vand.u32 $0x7E, v29;
	v22 =	vshll.u32 v21, $0x3;
	(xrf1) =	vsort.ascd.msk.u32 $0xffff, v26, v26;
	v33, _, _ =	vpop (xrf1)  }
0x186: {  	v28 =	vor.u32 v27, v20;
	v27 =	vmov s31;
	v35 =	vmin.u32 v61, v63;
	(xrf1) =	vsort.ascd.msk.u32 $0xffff, v30, v30;
	v37, _, _ =	vpop (xrf1)  }
0x187: {  	v26 =	vor.u32 v1, v28;
	v36 =	vor.u32 v4, v28;
	v20 =	vor.u32 v0, v28;
	v32, _, _ =	vpop (xrf1)  }
0x188: {  	s23 =	simm.s32 $0x8;
	v22 =	vand.u32 $0x400, v22;
	v29 =	vor.u32 v2, v28;
	v30 =	vor.u32 v3, v28;
	(xrf1) =	vsort.dscd.msk.u32 $0xffff, v62, v62;
	v34, _, _ =	vpop (xrf1)  }
.LBB2_5:
0x189: {  	p0 =	slt.u32 s23, $0xFC;
	v38 =	vor.u32 v7, v28;
	v39 =	vor.u32 v8, v28;
	v33 =	vmin.u32 v24, v33;
	v40, _, _ =	vpop (xrf1);
	s24 =	smov.u32 s23;
	s23 =	sadd.s32 $0x4, s23  }
0x18a: {  	v24 =	vshll.u32 v27, $0x3;
	v31 =	vmin.u32 v37, v31;
	v37, _, _ =	vpop (xrf1);
	(xrf1) =	vsort.dscd.msk.u32 $0xffff, v35, v35  }
0x18b: {  	v27 =	vand.u32 $0x7F, v27;
	v35 =	vor.u32 v5, v28;
	v24 =	vand.u32 $0x400, v24;
	(xrf1) =	vsort.ascd.msk.u32 $0xffff, v31, v31  }
0x18c: {  	v32 =	vmin.u32 v34, v32;
	v28 =	vor.u32 v27, v24;
	v31 =	vld.idx.msk [tilespmem:v36+s15+$0x0], $0xffff;
	v36 =	vor.u32 v25, v23;
	v23, _, _ =	vpop (xrf1)  }
0x18d: {  	v34 =	vld.idx.msk [tilespmem:v20+s15+$0x0], $0xffff;
	v24 =	vor.u32 v0, v36;
	v41 =	vor.u32 v1, v36;
	v25, _, _ =	vpop (xrf1);
	(xrf1) =	vsort.dscd.msk.u32 $0xffff, v33, v33  }
0x18e: {  	v42 =	vor.u32 v4, v36;
	v33 =	vld.idx.msk [tilespmem:v26+s15+$0x0], $0xffff;
	v26 =	vor.u32 v5, v36;
	v25 =	vmin.u32 v37, v25;
	v27, _, _ =	vpop (xrf1)  }
0x18f: {  	v37 =	vor.u32 v8, v36;
	v30 =	vld.idx.msk [tilespmem:v30+s15+$0x0], $0xffff;
	v27 =	vmin.u32 v23, v27;
	v43, _, _ =	vpop (xrf1);
	(xrf1) =	vsort.dscd.msk.u32 $0xffff, v25, v25  }
0x190: {  	v23 =	vor.u32 v0, v28;
	v29 =	vld.idx.msk [tilespmem:v29+s15+$0x0], $0xffff;
	v40 =	vmin.u32 v43, v40;
	(xrf1) =	vsort.ascd.msk.u32 $0xffff, v27, v27;
	v43, _, _ =	vpop (xrf1)  }
0x191: {  	v45 =	vor.u32 v2, v28;
	v44 =	vor.u32 v7, v36;
	v27 =	vor.u32 v1, v28;
	v39 =	vld.idx.msk [tilespmem:v39+s15+$0x0], $0xffff;
	v46, _, _ =	vpop (xrf1)  }
0x192: {  	v47 =	vor.u32 v3, v28;
	v25 =	vor.u32 v4, v28;
	v35 =	vld.idx.msk [tilespmem:v35+s15+$0x0], $0xffff;
	v48, _, _ =	vpop (xrf1)  }
0x193: {  	v34 =	vand.u32 $0xFFFFFF80, v34;
	v49 =	vld.idx.msk [tilespmem:v26+s15+$0x0], $0xffff;
	v43 =	vmin.u32 v43, v48;
	v26, _, _ =	vpop (xrf1);
	(xrf1) =	vsort.ascd.msk.u32 $0xffff, v32, v32  }
0x194: {  	v31 =	vand.u32 $0xFFFFFF80, v31;
	v32 =	vor.u32 v6, v34;
	v34 =	vld.idx.msk [tilespmem:v37+s15+$0x0], $0xffff;
	v48 =	vmin.u32 v26, v46;
	v46, _, _ =	vpop (xrf1)  }
0x195: {  	v31 =	vor.u32 v12, v31;
	v30 =	vand.u32 $0xFFFFFF80, v30;
	v26 =	vor.u32 v5, v28;
	(xrf1) =	vsort.ascd.msk.u32 $0xffff, v40, v40  }
0x196: {  	v29 =	vand.u32 $0xFFFFFF80, v29;
	v50 =	vor.u32 v11, v30;
	v40 =	vld.idx.msk [tilespmem:v42+s15+$0x0], $0xffff;
	(xrf1) =	vsort.dscd.msk.u32 $0xffff, v48, v48;
	v37, _, _ =	vpop (xrf1)  }
0x197: {  	v33 =	vand.u32 $0xFFFFFF80, v33;
	v29 =	vor.u32 v10, v29;
	v39 =	vand.u32 $0xFFFFFF80, v39;
	v38 =	vld.idx.msk [tilespmem:v38+s15+$0x0], $0xffff;
	(xrf1) =	vsort.ascd.msk.u32 $0xffff, v31, v31  }
0x198: {  	v31 =	vor.u32 v9, v33;
	v33 =	vand.u32 $0xFFFFFF80, v35;
	v35 =	vor.u32 v2, v36;
	(xrf1) =	vsort.dscd.msk.u32 $0xffff, v50, v50;
	v30, _, _ =	vpop (xrf1)  }
0x199: {  	v39 =	vor.u32 v15, v39;
	v36 =	vor.u32 v3, v36;
	v42 =	vld.idx.msk [tilespmem:v44+s15+$0x0], $0xffff;
	v44, _, _ =	vpop (xrf1);
	(xrf1) =	vsort.ascd.msk.u32 $0xffff, v43, v43  }
0x19a: {  	v33 =	vor.u32 v13, v33;
	v43 =	vld.idx.msk [tilespmem:v47+s15+$0x0], $0xffff;
	(xrf1) =	vsort.ascd.msk.u32 $0xffff, v29, v29;
	v29 =	vmin.u32 v44, v30  }
0x19b: {  	v30 =	vor.u32 v7, v28;
	(xrf1) =	vsort.dscd.msk.u32 $0xffff, v31, v31;
	v31 =	vmin.u32 v46, v37;
	v37, _, _ =	vpop (xrf1)  }
0x19c: {  	(xrf1) =	vsort.ascd.msk.u32 $0xffff, v32, v32;
	v32 =	vand.u32 $0x7F, v31  }
0x19d: {  	v38 =	vand.u32 $0xFFFFFF80, v38;
	v35 =	vld.idx.msk [tilespmem:v35+s15+$0x0], $0xffff;
	(xrf1) =	vsort.dscd.msk.u32 $0xffff, v39, v39;
	v39, _, _ =	vpop (xrf1)  }
0x19e: {  	v38 =	vor.u32 v14, v38;
	v36 =	vld.idx.msk [tilespmem:v36+s15+$0x0], $0xffff;
	(xrf1) =	vsort.dscd.msk.u32 $0xffff, v33, v33;
	v33, _, _ =	vpop (xrf1)  }
0x19f: {  	v40 =	vand.u32 $0xFFFFFF80, v40;
	v41 =	vld.idx.msk [tilespmem:v41+s15+$0x0], $0xffff;
	v33 =	vmin.u32 v33, v39;
	(xrf1) =	vsort.dscd.msk.u32 $0xffff, v29, v29  }
0x1a0: {  	v34 =	vand.u32 $0xFFFFFF80, v34;
	v39 =	vor.u32 v12, v40;
	v40 =	vand.u32 $0xFFFFFF80, v49;
	v29 =	vld.idx.msk [tilespmem:v24+s15+$0x0], $0xffff;
	(xrf1) =	vsort.ascd.msk.u32 $0xffff, v38, v38  }
0x1a1: {  	v38 =	vor.u32 v13, v40;
	v40 =	vand.u32 $0xFFFFFF80, v42;
	v42 =	vand.u32 $0xFFFFFF80, v43;
	v32 =	vld.idx.msk [tilespmem:v32+s11+$0x0], $0xffff;
	v43, _, _ =	vpop (xrf1)  }
0x1a2: {  	v34 =	vor.u32 v15, v34;
	v44 =	vor.u32 v14, v40;
	v42 =	vor.u32 v11, v42  }
0x1a3: {  	v35 =	vand.u32 $0xFFFFFF80, v35;
	(xrf1) =	vsort.ascd.msk.u32 $0xffff, v44, v44;
	[tilespmem:v16+s17+$0x0] =	vst.idx.msk $0xffff, v31;
	v31, _, _ =	vpop (xrf1)  }
0x1a4: {  	v28 =	vor.u32 v8, v28;
	v36 =	vand.u32 $0xFFFFFF80, v36;
	v40, _, _ =	vpop (xrf1);
	(xrf1) =	vsort.ascd.msk.u32 $0xffff, v33, v33  }
0x1a5: {  	v33 =	vand.u32 $0xFFFFFF80, v41;
	v36 =	vor.u32 v11, v36;
	v41, _, _ =	vpop (xrf1);
	(xrf1) =	vsort.ascd.msk.u32 $0xffff, v39, v39;
	v31 =	vmin.u32 v31, v40  }
0x1a6: {  	v29 =	vand.u32 $0xFFFFFF80, v29;
	v33 =	vor.u32 v9, v33;
	v30 =	vld.idx.msk [tilespmem:v30+s15+$0x0], $0xffff;
	v39, _, _ =	vpop (xrf1);
	(xrf1) =	vsort.dscd.msk.u32 $0xffff, v31, v31  }
0x1a7: {  	v29 =	vor.u32 v6, v29;
	v31 =	vmin.u32 v43, v37;
	(xrf1) =	vsort.dscd.msk.u32 $0xffff, v34, v34;
	v34, _, _ =	vpop (xrf1)  }
0x1a8: {  	v37, _, _ =	vpop (xrf1);
	(xrf1) =	vsort.dscd.msk.u32 $0xffff, v38, v38;
	[tilespmem:v16+s18+$0x0] =	vst.idx.msk $0xffff, v32;
	v32 =	vand.u32 $0x7F, v31;
	v16 =	vmov v20  }
0x1a9: {  	v35 =	vor.u32 v10, v35;
	v20 =	vmin.u32 v37, v39;
	v37 =	vld.idx.msk [tilespmem:v45+s15+$0x0], $0xffff;
	v38, _, _ =	vpop (xrf1);
	(xrf1) =	vsort.dscd.msk.u32 $0xffff, v33, v33  }
0x1aa: {  	v33 =	vld.idx.msk [tilespmem:v23+s15+$0x0], $0xffff;
	v39, _, _ =	vpop (xrf1);
	(xrf1) =	vsort.ascd.msk.u32 $0xffff, v35, v35  }
0x1ab: {  	v35 =	vmin.u32 v39, v38;
	v38, _, _ =	vpop (xrf1);
	(xrf1) =	vsort.dscd.msk.u32 $0xffff, v36, v36  }
0x1ac: {  	v30 =	vand.u32 $0xFFFFFF80, v30;
	v27 =	vld.idx.msk [tilespmem:v27+s15+$0x0], $0xffff;
	v36, _, _ =	vpop (xrf1);
	(xrf1) =	vsort.ascd.msk.u32 $0xffff, v35, v35  }
0x1ad: {  	v30 =	vor.u32 v14, v30;
	v35 =	vmin.u32 v41, v36;
	(xrf1) =	vsort.dscd.msk.u32 $0xffff, v20, v20;
	v20 =	vld.idx.msk [tilespmem:v32+s11+$0x0], $0xffff;
	v32, _, _ =	vpop (xrf1)  }
0x1ae: {  	v28 =	vld.idx.msk [tilespmem:v28+s15+$0x0], $0xffff;
	v36, _, _ =	vpop (xrf1);
	(xrf1) =	vsort.ascd.msk.u32 $0xffff, v35, v35;
	[tilespmem:v17+s17+$0x0] =	vst.idx.msk $0xffff, v31;
	v31 =	vmin.u32 v34, v32  }
0x1af: {  	v21 =	vand.u32 $0x7C, v21;
	v32 =	vmin.u32 v36, v38;
	(xrf1) =	vsort.ascd.msk.u32 $0xffff, v29, v29;
	v29 =	vand.u32 $0x7F, v31  }
0x1b0: {  	v21 =	vor.u32 v21, v22;
	v22 =	vld.idx.msk [tilespmem:v25+s15+$0x0], $0xffff;
	v25 =	vand.u32 $0xFFFFFF80, v33;
	v33 =	vand.u32 $0xFFFFFF80, v37;
	(xrf1) =	vsort.dscd.msk.u32 $0xffff, v32, v32  }
0x1b1: {  	v32 =	vor.u32 v5, v21;
	v26 =	vld.idx.msk [tilespmem:v26+s15+$0x0], $0xffff;
	v33 =	vor.u32 v10, v33;
	v34, _, _ =	vpop (xrf1);
	(xrf1) =	vsort.dscd.msk.u32 $0xffff, v42, v42  }
0x1b2: {  	v35 =	vor.u32 v2, v21;
	v37 =	vor.u32 v6, v25;
	v27 =	vand.u32 $0xFFFFFF80, v27;
	(xrf1) =	vsort.ascd.msk.u32 $0xffff, v30, v30;
	v30, _, _ =	vpop (xrf1)  }
0x1b3: {  	v27 =	vor.u32 v9, v27;
	v36, _, _ =	vpop (xrf1);
	(xrf1) =	vsort.ascd.msk.u32 $0xffff, v37, v37;
	[tilespmem:v17+s18+$0x0] =	vst.idx.msk $0xffff, v20;
	v17 =	vmov v24  }
0x1b4: {  	v20 =	vand.u32 $0xFFFFFF80, v28;
	(xrf1) =	vsort.dscd.msk.u32 $0xffff, v27, v27;
	v24 =	vld.idx.msk [tilespmem:v29+s11+$0x0], $0xffff;
	v25, _, _ =	vpop (xrf1)  }
0x1b5: {  	v27 =	vor.u32 v0, v21;
	v20 =	vor.u32 v15, v20;
	v28, _, _ =	vpop (xrf1);
	v25 =	vmin.u32 v30, v25  }
0x1b6: {  	v29 =	vor.u32 v1, v21;
	v30 =	vor.u32 v3, v21;
	v37, _, _ =	vpop (xrf1);
	(xrf1) =	vsort.ascd.msk.u32 $0xffff, v33, v33;
	v33 =	vand.u32 $0x7F, v25  }
0x1b7: {  	v22 =	vand.u32 $0xFFFFFF80, v22;
	v26 =	vand.u32 $0xFFFFFF80, v26;
	v32 =	vld.idx.msk [tilespmem:v32+s15+$0x0], $0xffff;
	v36 =	vmin.u32 v36, v37;
	v37, _, _ =	vpop (xrf1);
	[tilespmem:v18+s17+$0x0] =	vst.idx.msk $0xffff, v31  }
0x1b8: {  	v22 =	vor.u32 v12, v22;
	v31 =	vld.idx.msk [tilespmem:v35+s15+$0x0], $0xffff;
	v35 =	vor.u32 v4, v21;
	v38, _, _ =	vpop (xrf1);
	(xrf1) =	vsort.ascd.msk.u32 $0xffff, v36, v36  }
0x1b9: {  	v26 =	vor.u32 v13, v26;
	v36 =	vor.u32 v7, v21;
	v21 =	vor.u32 v8, v21;
	v39, _, _ =	vpop (xrf1)  }
0x1ba: {  	v40 =	vld.idx.msk [tilespmem:v27+s15+$0x0], $0xffff;
	v41, _, _ =	vpop (xrf1);
	(xrf1) =	vsort.dscd.msk.u32 $0xffff, v20, v20;
	[tilespmem:v18+s18+$0x0] =	vst.idx.msk $0xffff, v24;
	v18 =	vmov v23  }
0x1bb: {  	v20 =	vmin.u32 v34, v28;
	v23, _, _ =	vpop (xrf1);
	(xrf1) =	vsort.dscd.msk.u32 $0xffff, v26, v26;
	v24 =	vld.idx.msk [tilespmem:v33+s11+$0x0], $0xffff  }
0x1bc: {  	v26 =	vld.idx.msk [tilespmem:v30+s15+$0x0], $0xffff;
	v28, _, _ =	vpop (xrf1);
	(xrf1) =	vsort.dscd.msk.u32 $0xffff, v20, v20;
	[tilespmem:v19+s17+$0x0] =	vst.idx.msk $0xffff, v25  }
0x1bd: {  	v25 =	vand.u32 $0xFFFFFF80, v32;
	v20 =	vld.idx.msk [tilespmem:v29+s15+$0x0], $0xffff;
	v29 =	vmin.u32 v38, v39;
	v30, _, _ =	vpop (xrf1);
	(xrf1) =	vsort.ascd.msk.u32 $0xffff, v22, v22  }
0x1be: {  	v25 =	vor.u32 v13, v25;
	v22 =	vld.idx.msk [tilespmem:v35+s15+$0x0], $0xffff;
	v30 =	vmin.u32 v30, v37;
	v32, _, _ =	vpop (xrf1);
	(xrf1) =	vsort.dscd.msk.u32 $0xffff, v29, v29  }
0x1bf: {  	v33 =	vand.u32 $0xFFFFFF80, v31;
	v21 =	vld.idx.msk [tilespmem:v21+s15+$0x0], $0xffff;
	v34 =	vmin.u32 v28, v32;
	(xrf1) =	vsort.ascd.msk.u32 $0xffff, v30, v30;
	v28, _, _ =	vpop (xrf1)  }
0x1c0: {  	v31 =	vor.u32 v10, v33;
	v30 =	vld.idx.msk [tilespmem:v36+s15+$0x0], $0xffff;
	(xrf1) =	vsort.dscd.msk.u32 $0xffff, v25, v25;
	v32, _, _ =	vpop (xrf1)  }
0x1c1: {  	v25 =	vand.u32 $0xFFFFFF80, v40;
	(xrf1) =	vsort.ascd.msk.u32 $0xffff, v31, v31;
	v29, _, _ =	vpop (xrf1);
	[tilespmem:v19+s18+$0x0] =	vst.idx.msk $0xffff, v24;
	v19 =	vmov v27  }
0x1c2: {  	v27 =	vor.u32 v6, v25;
	v25 =	vand.u32 $0xFFFFFF80, v26;
	v26, _, _ =	vpop (xrf1)  }
0x1c3: {  	v20 =	vand.u32 $0xFFFFFF80, v20;
	v25 =	vor.u32 v11, v25;
	v26 =	vmin.u32 v29, v26;
	(xrf1) =	vsort.ascd.msk.u32 $0xffff, v27, v27  }
0x1c4: {  	v20 =	vor.u32 v9, v20;
	v22 =	vand.u32 $0xFFFFFF80, v22;
	(xrf1) =	vsort.dscd.msk.u32 $0xffff, v25, v25;
	v24, _, _ =	vpop (xrf1)  }
0x1c5: {  	v22 =	vor.u32 v12, v22;
	v25 =	vand.u32 $0xFFFFFF80, v21;
	v27 =	vmin.u32 v24, v28;
	(xrf1) =	vsort.dscd.msk.u32 $0xffff, v20, v20  }
0x1c6: {  	s25 =	sadd.s32 $0x1, s24;
	s26 =	sadd.s32 $0x2, s24;
	v21 =	vmov s24;
	s24 =	sadd.s32 $0x3, s24;
	v20 =	vand.u32 $0xFFFFFF80, v30;
	(xrf1) =	vsort.ascd.msk.u32 $0xffff, v22, v22;
	v24, _, _ =	vpop (xrf1)  }
0x1c7: {  	v28 =	vmov s26;
	v25 =	vor.u32 v15, v25;
	v22 =	vmov s25;
	(xrf1) =	vsort.ascd.msk.u32 $0xffff, v26, v26  }
0x1c8: {  	v30 =	vmin.u32 v41, v23;
	v29 =	vshll.u32 v28, $0x3;
	v26 =	vshll.u32 v22, $0x3;
	(xrf1) =	vsort.dscd.msk.u32 $0xffff, v25, v25;
	v35, _, _ =	vpop (xrf1)  }
.Ltmp1:
0x1c9: {  	v20 =	vor.u32 v14, v20;
	v23 =	vand.u32 $0x400, v29;
	v26 =	vand.u32 $0x400, v26;
	v31, _, _ =	vpop (xrf1);
	(xrf1) =	vsort.dscd.msk.u32 $0xffff, v27, v27;
	(pc) =	sbr.rel @p0 .LBB2_5-.Ltmp1, $4  }
0x1ca: {  	v29 =	vshll.u32 v21, $0x3;
	v22 =	vand.u32 $0x7D, v22;
	v25 =	vand.u32 $0x7E, v28;
	(xrf1) =	vsort.ascd.msk.u32 $0xffff, v20, v20;
	v33, _, _ =	vpop (xrf1)  }
0x1cb: {  	v28 =	vor.u32 v22, v26;
	v27 =	vmov s24;
	v35 =	vmin.u32 v32, v35;
	(xrf1) =	vsort.ascd.msk.u32 $0xffff, v30, v30;
	v37, _, _ =	vpop (xrf1)  }
0x1cc: {  	v26 =	vor.u32 v1, v28;
	v36 =	vor.u32 v4, v28;
	v30 =	vor.u32 v3, v28;
	v32, _, _ =	vpop (xrf1)  }
0x1cd: {  	v22 =	vand.u32 $0x400, v29;
	v20 =	vor.u32 v0, v28;
	v29 =	vor.u32 v2, v28;
	(xrf1) =	vsort.dscd.msk.u32 $0xffff, v34, v34;
	v34, _, _ =	vpop (xrf1)  }
0x1ce: {  	_ = 	snop  }
0x1cf: {  	v38, _, _ =	vpop (xrf1)  }
0x1d0: {  	v39, _, _ =	vpop (xrf1)  }
0x1d1: {  	v40, _, _ =	vpop (xrf1)  }
0x1d2: {  	v41, _, _ =	vpop (xrf1)  }
0x1d3: {  	v31 =	vmin.u32 v37, v31;
	(xrf1) =	vsort.dscd.msk.u32 $0xffff, v35, v35;
	v43, _, _ =	vpop (xrf1)  }
0x1d4: {  	v24 =	vmin.u32 v24, v33;
	v44 =	vld.idx.msk [tilespmem:v36+s15+$0x0], $0xffff;
	(xrf1) =	vsort.ascd.msk.u32 $0xffff, v31, v31;
	v45, _, _ =	vpop (xrf1)  }
0x1d5: {  	v46 =	vor.u32 v8, v28;
	v30 =	vld.idx.msk [tilespmem:v30+s15+$0x0], $0xffff;
	(xrf1) =	vsort.dscd.msk.u32 $0xffff, v24, v24;
	v47 =	vmin.u32 v39, v41;
	v48, _, _ =	vpop (xrf1)  }
0x1d6: {  	v49 =	vor.u32 v5, v28;
	v35 =	vmin.u32 v40, v43;
	(xrf1) =	vsort.dscd.msk.u32 $0xffff, v47, v47;
	v50, _, _ =	vpop (xrf1)  }
0x1d7: {  	v51 =	vor.u32 v7, v28;
	v32 =	vmin.u32 v34, v32;
	v29 =	vld.idx.msk [tilespmem:v29+s15+$0x0], $0xffff;
	(xrf1) =	vsort.ascd.msk.u32 $0xffff, v35, v35;
	v52, _, _ =	vpop (xrf1)  }
0x1d8: {  	v23 =	vor.u32 v25, v23;
	v53 =	vld.idx.msk [tilespmem:v26+s15+$0x0], $0xffff;
	v54 =	vmin.u32 v45, v38;
	(xrf1) =	vsort.ascd.msk.u32 $0xffff, v32, v32;
	v55, _, _ =	vpop (xrf1)  }
0x1d9: {  	v56 =	vld.idx.msk [tilespmem:v20+s15+$0x0], $0xffff;
	v31 =	vand.u32 $0xFFFFFF80, v44;
	(xrf1) =	vsort.ascd.msk.u32 $0xffff, v54, v54;
	v24 =	vmin.u32 v55, v50  }
0x1da: {  	v57 =	vld.idx.msk [tilespmem:v46+s15+$0x0], $0xffff;
	v30 =	vand.u32 $0xFFFFFF80, v30;
	v31 =	vor.u32 v12, v31;
	(xrf1) =	vsort.dscd.msk.u32 $0xffff, v24, v24  }
0x1db: {  	v58 =	vor.u32 v7, v23;
	v59 =	vld.idx.msk [tilespmem:v49+s15+$0x0], $0xffff;
	v60 =	vor.u32 v11, v30;
	(xrf1) =	vsort.ascd.msk.u32 $0xffff, v31, v31  }
0x1dc: {  	v61 =	vor.u32 v4, v23;
	v29 =	vand.u32 $0xFFFFFF80, v29;
	v62 =	vmin.u32 v48, v52;
	(xrf1) =	vsort.dscd.msk.u32 $0xffff, v60, v60  }
0x1dd: {  	v39 =	vand.u32 $0xFFFFFF80, v53;
	v28 =	vld.idx.msk [tilespmem:v51+s15+$0x0], $0xffff;
	v40 =	vor.u32 v10, v29;
	(xrf1) =	vsort.ascd.msk.u32 $0xffff, v62, v62  }
0x1de: {  	v63 =	vor.u32 v5, v23;
	v42 =	vand.u32 $0xFFFFFF80, v56;
	v43 =	vor.u32 v9, v39;
	(xrf1) =	vsort.ascd.msk.u32 $0xffff, v40, v40  }
0x1df: {  	v41 =	vor.u32 v8, v23;
	v26 =	vand.u32 $0xFFFFFF80, v57;
	v31 =	vor.u32 v6, v42;
	v24, _, _ =	vpop (xrf1);
	(xrf1) =	vsort.dscd.msk.u32 $0xffff, v43, v43  }
0x1e0: {  	v33 =	vld.idx.msk [tilespmem:v58+s15+$0x0], $0xffff;
	v44 =	vand.u32 $0xFFFFFF80, v59;
	v26 =	vor.u32 v15, v26;
	v25, _, _ =	vpop (xrf1);
	(xrf1) =	vsort.ascd.msk.u32 $0xffff, v31, v31  }
0x1e1: {  	v45 =	vor.u32 v1, v23;
	v32 =	vor.u32 v13, v44;
	v46, _, _ =	vpop (xrf1);
	(xrf1) =	vsort.dscd.msk.u32 $0xffff, v26, v26  }
0x1e2: {  	v30 =	vld.idx.msk [tilespmem:v61+s15+$0x0], $0xffff;
	v47 =	vor.u32 v2, v23;
	v28 =	vand.u32 $0xFFFFFF80, v28;
	v48, _, _ =	vpop (xrf1);
	(xrf1) =	vsort.dscd.msk.u32 $0xffff, v32, v32  }
0x1e3: {  	v49 =	vor.u32 v3, v23;
	v28 =	vor.u32 v14, v28;
	v26, _, _ =	vpop (xrf1)  }
0x1e4: {  	v23 =	vor.u32 v0, v23;
	v29 =	vld.idx.msk [tilespmem:v41+s15+$0x0], $0xffff;
	v35 =	vmin.u32 v48, v46;
	v50, _, _ =	vpop (xrf1)  }
0x1e5: {  	v34 =	vld.idx.msk [tilespmem:v63+s15+$0x0], $0xffff;
	v33 =	vand.u32 $0xFFFFFF80, v33;
	v51, _, _ =	vpop (xrf1);
	(xrf1) =	vsort.dscd.msk.u32 $0xffff, v35, v35  }
0x1e6: {  	v33 =	vor.u32 v14, v33;
	v31 =	vld.idx.msk [tilespmem:v45+s15+$0x0], $0xffff;
	(xrf1) =	vsort.ascd.msk.u32 $0xffff, v28, v28;
	v28, _, _ =	vpop (xrf1)  }
0x1e7: {  	v36 =	vld.idx.msk [tilespmem:v47+s15+$0x0], $0xffff;
	v30 =	vand.u32 $0xFFFFFF80, v30;
	v37 =	vmin.u32 v51, v50;
	(xrf1) =	vsort.ascd.msk.u32 $0xffff, v33, v33;
	v53, _, _ =	vpop (xrf1)  }
0x1e8: {  	v54 =	vand.u32 $0x7F, v27;
	v52 =	vshll.u32 v27, $0x3;
	v30 =	vor.u32 v12, v30;
	v32 =	vld.idx.msk [tilespmem:v49+s15+$0x0], $0xffff;
	(xrf1) =	vsort.ascd.msk.u32 $0xffff, v37, v37;
	v55, _, _ =	vpop (xrf1)  }
0x1e9: {  	v63 =	vld.idx.msk [tilespmem:v23+s15+$0x0], $0xffff;
	v56 =	vand.u32 $0xFFFFFF80, v29;
	v35 =	vand.u32 $0x400, v52;
	(xrf1) =	vsort.ascd.msk.u32 $0xffff, v30, v30;
	v57, _, _ =	vpop (xrf1);
	v58 =	vmin.u32 v53, v55  }
0x1ea: {  	v60 =	vand.u32 $0xFFFFFF80, v34;
	v27 =	vor.u32 v15, v56;
	v35 =	vor.u32 v54, v35;
	v61, _, _ =	vpop (xrf1);
	(xrf1) =	vsort.dscd.msk.u32 $0xffff, v58, v58  }
0x1eb: {  	v59 =	vor.u32 v3, v35;
	v33 =	vor.u32 v13, v60;
	v31 =	vand.u32 $0xFFFFFF80, v31;
	(xrf1) =	vsort.dscd.msk.u32 $0xffff, v27, v27;
	v29, _, _ =	vpop (xrf1)  }
0x1ec: {  	v36 =	vand.u32 $0xFFFFFF80, v36;
	v62 =	vor.u32 v7, v35;
	v31 =	vor.u32 v9, v31;
	v45, _, _ =	vpop (xrf1);
	(xrf1) =	vsort.dscd.msk.u32 $0xffff, v33, v33  }
0x1ed: {  	v46 =	vor.u32 v10, v36;
	v48 =	vor.u32 v1, v35;
	v32 =	vand.u32 $0xFFFFFF80, v32;
	v47, _, _ =	vpop (xrf1);
	(xrf1) =	vsort.dscd.msk.u32 $0xffff, v31, v31  }
0x1ee: {  	v32 =	vor.u32 v11, v32;
	v27 =	vor.u32 v0, v35;
	v49, _, _ =	vpop (xrf1);
	(xrf1) =	vsort.ascd.msk.u32 $0xffff, v46, v46  }
0x1ef: {  	v36 =	vmin.u32 v49, v47;
	v51, _, _ =	vpop (xrf1);
	(xrf1) =	vsort.dscd.msk.u32 $0xffff, v32, v32  }
0x1f0: {  	v50 =	vor.u32 v2, v35;
	v52 =	vld.idx.msk [tilespmem:v59+s15+$0x0], $0xffff;
	v53 =	vmin.u32 v45, v61;
	v54, _, _ =	vpop (xrf1);
	(xrf1) =	vsort.ascd.msk.u32 $0xffff, v36, v36  }
0x1f1: {  	v55 =	vand.u32 $0xFFFFFF80, v63;
	v38 =	vld.idx.msk [tilespmem:v62+s15+$0x0], $0xffff;
	v34 =	vmin.u32 v57, v54;
	(xrf1) =	vsort.dscd.msk.u32 $0xffff, v53, v53  }
0x1f2: {  	v31 =	vld.idx.msk [tilespmem:v48+s15+$0x0], $0xffff;
	v36 =	vor.u32 v6, v55;
	(xrf1) =	vsort.ascd.msk.u32 $0xffff, v34, v34  }
0x1f3: {  	v21 =	vand.u32 $0x7C, v21;
	v42 =	vor.u32 v8, v35;
	v56 =	vld.idx.msk [tilespmem:v27+s15+$0x0], $0xffff;
	v30, _, _ =	vpop (xrf1);
	(xrf1) =	vsort.ascd.msk.u32 $0xffff, v36, v36  }
0x1f4: {  	v41 =	vor.u32 v21, v22;
	v57 =	vor.u32 v5, v35;
	v58, _, _ =	vpop (xrf1)  }
0x1f5: {  	v21 =	vor.u32 v0, v41;
	v60, _, _ =	vpop (xrf1)  }
0x1f6: {  	v33 =	vld.idx.msk [tilespmem:v50+s15+$0x0], $0xffff;
	v32 =	vand.u32 $0xFFFFFF80, v52;
	v35 =	vor.u32 v4, v35;
	v36 =	vmin.u32 v58, v51;
	v22, _, _ =	vpop (xrf1)  }
0x1f7: {  	v63 =	vor.u32 v5, v41;
	v38 =	vand.u32 $0xFFFFFF80, v38;
	v32 =	vor.u32 v11, v32;
	(xrf1) =	vsort.dscd.msk.u32 $0xffff, v36, v36;
	v48, _, _ =	vpop (xrf1)  }
0x1f8: {  	v59 =	vld.idx.msk [tilespmem:v42+s15+$0x0], $0xffff;
	v61 =	vor.u32 v14, v38;
	v49 =	vand.u32 $0xFFFFFF80, v31;
	v62 =	vand.u32 $0xFFFFFF80, v56;
	(xrf1) =	vsort.dscd.msk.u32 $0xffff, v32, v32;
	v31, _, _ =	vpop (xrf1)  }
0x1f9: {  	v34 =	vld.idx.msk [tilespmem:v57+s15+$0x0], $0xffff;
	v36 =	vor.u32 v6, v62;
	(xrf1) =	vsort.ascd.msk.u32 $0xffff, v61, v61;
	v52, _, _ =	vpop (xrf1)  }
0x1fa: {  	v50 =	vor.u32 v2, v41;
	v51 =	vor.u32 v9, v49;
	(xrf1) =	vsort.ascd.msk.u32 $0xffff, v36, v36;
	v54, _, _ =	vpop (xrf1)  }
0x1fb: {  	v43 =	vor.u32 v3, v41;
	v33 =	vand.u32 $0xFFFFFF80, v33;
	v35 =	vld.idx.msk [tilespmem:v35+s15+$0x0], $0xffff;
	(xrf1) =	vsort.dscd.msk.u32 $0xffff, v51, v51;
	v44, _, _ =	vpop (xrf1)  }
0x1fc: {  	v45 =	vor.u32 v1, v41;
	v37 =	vld.idx.msk [tilespmem:v63+s15+$0x0], $0xffff;
	v33 =	vor.u32 v10, v33;
	v55, _, _ =	vpop (xrf1)  }
0x1fd: {  	v47 =	vld.idx.msk [tilespmem:v21+s15+$0x0], $0xffff;
	v53 =	vand.u32 $0xFFFFFF80, v59;
	(xrf1) =	vsort.ascd.msk.u32 $0xffff, v33, v33;
	v32 =	vmin.u32 v48, v54;
	v57, _, _ =	vpop (xrf1)  }
0x1fe: {  	v38 =	vor.u32 v15, v53;
	v56 =	vor.u32 v4, v41;
	v34 =	vand.u32 $0xFFFFFF80, v34;
	(xrf1) =	vsort.ascd.msk.u32 $0xffff, v32, v32;
	v46, _, _ =	vpop (xrf1)  }
0x1ff: {  	v42 =	vld.idx.msk [tilespmem:v50+s15+$0x0], $0xffff;
	v58 =	vor.u32 v8, v41;
	v34 =	vor.u32 v13, v34;
	(xrf1) =	vsort.dscd.msk.u32 $0xffff, v38, v38;
	v40, _, _ =	vpop (xrf1)  }
0x200: {  	v36 =	vmin.u32 v60, v52;
	v60 =	vld.idx.msk [tilespmem:v43+s15+$0x0], $0xffff;
	v35 =	vand.u32 $0xFFFFFF80, v35;
	(xrf1) =	vsort.dscd.msk.u32 $0xffff, v34, v34;
	v43, _, _ =	vpop (xrf1)  }
0x201: {  	v61 =	vor.u32 v7, v41;
	v59 =	vor.u32 v12, v35;
	(xrf1) =	vsort.dscd.msk.u32 $0xffff, v36, v36;
	v63, _, _ =	vpop (xrf1)  }
0x202: {  	v62 =	vld.idx.msk [tilespmem:v45+s15+$0x0], $0xffff;
	v32 =	vmin.u32 v55, v57;
	(xrf1) =	vsort.ascd.msk.u32 $0xffff, v59, v59;
	v33 =	vmin.u32 v63, v44  }
0x203: {  	v45 =	vand.u32 $0xFFFFFF80, v37;
	v48 =	vld.idx.msk [tilespmem:v56+s15+$0x0], $0xffff;
	(xrf1) =	vsort.dscd.msk.u32 $0xffff, v32, v32  }
0x204: {  	v50 =	vand.u32 $0xFFFFFF80, v42;
	v49 =	vor.u32 v13, v45;
	(xrf1) =	vsort.ascd.msk.u32 $0xffff, v33, v33  }
0x205: {  	v51 =	vand.u32 $0xFFFFFF80, v47;
	v38 =	vld.idx.msk [tilespmem:v58+s15+$0x0], $0xffff;
	v34 =	vor.u32 v10, v50;
	v33, _, _ =	vpop (xrf1);
	(xrf1) =	vsort.dscd.msk.u32 $0xffff, v49, v49  }
0x206: {  	v53 =	vand.u32 $0xFFFFFF80, v60;
	v32 =	vor.u32 v6, v51;
	v52, _, _ =	vpop (xrf1);
	(xrf1) =	vsort.ascd.msk.u32 $0xffff, v34, v34  }
0x207: {  	v54 =	vld.idx.msk [tilespmem:v61+s15+$0x0], $0xffff;
	v41 =	vand.u32 $0xFFFFFF80, v62;
	v34 =	vor.u32 v11, v53;
	v55, _, _ =	vpop (xrf1);
	(xrf1) =	vsort.ascd.msk.u32 $0xffff, v32, v32  }
0x208: {  	v41 =	vor.u32 v9, v41;
	v37 =	vand.u32 $0xFFFFFF80, v48;
	v56, _, _ =	vpop (xrf1);
	(xrf1) =	vsort.dscd.msk.u32 $0xffff, v34, v34  }
0x209: {  	v37 =	vor.u32 v12, v37;
	v57, _, _ =	vpop (xrf1);
	(xrf1) =	vsort.dscd.msk.u32 $0xffff, v41, v41  }
0x20a: {  	v58 =	vand.u32 $0xFFFFFF80, v38;
	v32 =	vmin.u32 v56, v57;
	(xrf1) =	vsort.ascd.msk.u32 $0xffff, v37, v37  }
0x20b: {  	v34 =	vor.u32 v15, v58;
	v59, _, _ =	vpop (xrf1);
	(xrf1) =	vsort.ascd.msk.u32 $0xffff, v32, v32  }
0x20c: {  	v35 =	vand.u32 $0xFFFFFF80, v54;
	v60 =	vmin.u32 v59, v52;
	v61, _, _ =	vpop (xrf1);
	(xrf1) =	vsort.dscd.msk.u32 $0xffff, v34, v34  }
0x20d: {  	v35 =	vor.u32 v14, v35;
	v62, _, _ =	vpop (xrf1);
	(xrf1) =	vsort.dscd.msk.u32 $0xffff, v60, v60  }
0x20e: {  	v63, _, _ =	vpop (xrf1);
	(xrf1) =	vsort.ascd.msk.u32 $0xffff, v35, v35  }
0x20f: {  	v48, _, _ =	vpop (xrf1)  }
0x210: {  	v49, _, _ =	vpop (xrf1)  }
0x211: {  	v50, _, _ =	vpop (xrf1)  }
0x212: {  	v51, _, _ =	vpop (xrf1)  }
0x213: {  	v52, _, _ =	vpop (xrf1)  }
0x214: {  	v40 =	vmin.u32 v46, v40;
	v53, _, _ =	vpop (xrf1)  }
0x215: {  	v33 =	vmin.u32 v43, v33;
	(xrf1) =	vsort.ascd.msk.u32 $0xffff, v40, v40;
	v54, _, _ =	vpop (xrf1)  }
0x216: {  	v34 =	vmin.u32 v55, v62;
	(xrf1) =	vsort.dscd.msk.u32 $0xffff, v33, v33;
	v55, _, _ =	vpop (xrf1)  }
0x217: {  	v32 =	vmin.u32 v49, v63;
	(xrf1) =	vsort.dscd.msk.u32 $0xffff, v34, v34;
	v56, _, _ =	vpop (xrf1)  }
0x218: {  	v35 =	vmin.u32 v61, v48;
	(xrf1) =	vsort.ascd.msk.u32 $0xffff, v32, v32;
	v57, _, _ =	vpop (xrf1)  }
0x219: {  	(xrf1) =	vsort.dscd.msk.u32 $0xffff, v35, v35;
	v33 =	vmin.u32 v53, v55;
	v58, _, _ =	vpop (xrf1)  }
0x21a: {  	v34 =	vmin.u32 v54, v56;
	(xrf1) =	vsort.dscd.msk.u32 $0xffff, v33, v33;
	v59, _, _ =	vpop (xrf1)  }
0x21b: {  	v60 =	vmin.u32 v51, v50;
	(xrf1) =	vsort.ascd.msk.u32 $0xffff, v34, v34;
	v61, _, _ =	vpop (xrf1)  }
0x21c: {  	v32 =	vmin.u32 v57, v52;
	(xrf1) =	vsort.ascd.msk.u32 $0xffff, v60, v60;
	v62, _, _ =	vpop (xrf1)  }
0x21d: {  	(xrf1) =	vsort.ascd.msk.u32 $0xffff, v32, v32;
	v33 =	vmin.u32 v62, v59  }
0x21e: {  	(xrf1) =	vsort.dscd.msk.u32 $0xffff, v33, v33;
	_ =	sdelay $0x4  }
0x21f: {  	v63, _, _ =	vpop (xrf1)  }
0x220: {  	v44, _, _ =	vpop (xrf1)  }
0x221: {  	v45, _, _ =	vpop (xrf1)  }
0x222: {  	v46, _, _ =	vpop (xrf1)  }
0x223: {  	v47, _, _ =	vpop (xrf1)  }
0x224: {  	v48, _, _ =	vpop (xrf1)  }
0x225: {  	v49, _, _ =	vpop (xrf1)  }
0x226: {  	v34 =	vmin.u32 v58, v61;
	v50, _, _ =	vpop (xrf1)  }
0x227: {  	v51 =	vmin.u32 v46, v45;
	(xrf1) =	vsort.ascd.msk.u32 $0xffff, v34, v34;
	v52, _, _ =	vpop (xrf1)  }
0x228: {  	(xrf1) =	vsort.dscd.msk.u32 $0xffff, v51, v51;
	v53 =	vmin.u32 v49, v48;
	v54, _, _ =	vpop (xrf1)  }
0x229: {  	(xrf1) =	vsort.ascd.msk.u32 $0xffff, v53, v53;
	v34 =	vmin.u32 v52, v54  }
0x22a: {  	(xrf1) =	vsort.dscd.msk.u32 $0xffff, v34, v34  }
0x22b: {  	v24 =	vmin.u32 v24, v25  }
0x22c: {  	v25 =	vand.u32 $0x7F, v24  }
0x22d: {  	v26 =	vmin.u32 v28, v26  }
0x22e: {  	v28 =	vand.u32 $0x7F, v26  }
0x22f: {  	v29 =	vmin.u32 v29, v30  }
0x230: {  	v30 =	vand.u32 $0x7F, v29  }
0x231: {  	v25 =	vld.idx.msk [tilespmem:v25+s11+$0x0], $0xffff;
	v22 =	vmin.u32 v22, v31  }
0x232: {  	v31 =	vand.u32 $0x7F, v22  }
0x233: {  	v28 =	vld.idx.msk [tilespmem:v28+s11+$0x0], $0xffff;
	v32 =	vmin.u32 v63, v44  }
0x234: {  	v33 =	vand.u32 $0x7F, v32  }
0x235: {  	[tilespmem:v16+s17+$0x0] =	vst.idx.msk $0xffff, v24;
	v55 =	vld.idx.msk [tilespmem:v30+s11+$0x0], $0xffff;
	v56 =	vmin.u32 v50, v47;
	v57, _, _ =	vpop (xrf1)  }
0x236: {  	[tilespmem:v16+s18+$0x0] =	vst.idx.msk $0xffff, v25;
	v16 =	vand.u32 $0x7F, v56;
	v58, _, _ =	vpop (xrf1)  }
0x237: {  	[tilespmem:v17+s17+$0x0] =	vst.idx.msk $0xffff, v26;
	v59 =	vld.idx.msk [tilespmem:v31+s11+$0x0], $0xffff;
	v25 =	vmin.u32 v57, v58;
	v60, _, _ =	vpop (xrf1)  }
0x238: {  	[tilespmem:v17+s18+$0x0] =	vst.idx.msk $0xffff, v28;
	v17 =	vand.u32 $0x7F, v25;
	v61, _, _ =	vpop (xrf1)  }
0x239: {  	[tilespmem:v18+s17+$0x0] =	vst.idx.msk $0xffff, v29;
	v62 =	vld.idx.msk [tilespmem:v33+s11+$0x0], $0xffff;
	v28 =	vmin.u32 v60, v61  }
0x23a: {  	[tilespmem:v18+s18+$0x0] =	vst.idx.msk $0xffff, v55;
	v63 =	vand.u32 $0x7F, v28  }
0x23b: {  	[tilespmem:v19+s17+$0x0] =	vst.idx.msk $0xffff, v22;
	v16 =	vld.idx.msk [tilespmem:v16+s11+$0x0], $0xffff  }
0x23c: {  	[tilespmem:v19+s18+$0x0] =	vst.idx.msk $0xffff, v59  }
0x23d: {  	[tilespmem:v20+s17+$0x0] =	vst.idx.msk $0xffff, v32;
	v17 =	vld.idx.msk [tilespmem:v17+s11+$0x0], $0xffff  }
0x23e: {  	[tilespmem:v20+s18+$0x0] =	vst.idx.msk $0xffff, v62  }
0x23f: {  	[tilespmem:v23+s17+$0x0] =	vst.idx.msk $0xffff, v56;
	v18 =	vld.idx.msk [tilespmem:v63+s11+$0x0], $0xffff  }
0x240: {  	[tilespmem:v23+s18+$0x0] =	vst.idx.msk $0xffff, v16  }
0x241: {  	[tilespmem:v27+s17+$0x0] =	vst.idx.msk $0xffff, v25  }
0x242: {  	[tilespmem:v27+s18+$0x0] =	vst.idx.msk $0xffff, v17  }
0x243: {  	[tilespmem:v21+s17+$0x0] =	vst.idx.msk $0xffff, v28  }
0x244: {  	s23 =	sadd.s32 s5, s22;
	[tilespmem:v21+s18+$0x0] =	vst.idx.msk $0xffff, v18  }
0x245: {  	[hbm4b:s23+s13] =	stream.strided.scatter [tilespmem:s17], [sflag:$0x3], $0x1000, s14, s13, $0x38;
	[tilespmem:$0x12080] =	vst v63  }
0x246: {  	s21 =	sadd.s32 $0x1, s21;
	_ =	swait.ge [sflag:s12], $0x1000  }
0x247: {  	p0 =	sne.s32 s21, $0x10;
	[sflag:s12] =	ssyncset.done $0x0  }
.Ltmp2:
0x248: {  	s31 =	sadd.s32 s7, s22;
	[sflag:s12] =	ssyncadd.s32 $0xFFFFF000;
	(pc) =	sbr.rel @p0 .LBB2_2-.Ltmp2, $4  }
0x249: {  	[hbm4b:s31+s13] =	stream.strided.scatter [tilespmem:s18], [sflag:$0x3], $0x1000, s14, s13, $0x38;
	[tilespmem:$0x12080] =	vst v63  }
0x24a: {  	_ =	swait.ge [sflag:s12], $0x1000  }
0x24b: {  	[sflag:s12] =	ssyncset.done $0x0  }
0x24c: {  	[sflag:s12] =	ssyncadd.s32 $0xFFFFF000  }
0x24d: {  	s20 =	sadd.s32 $0x1, s20  }
0x24e: {  	p0 =	sne.s32 s20, s10  }
.Ltmp3:
0x24f: {  	_ = 	snop;
	(pc) =	sbr.rel @p0 .LBB2_1-.Ltmp3, $1  }
0x250: {  	_ =	sdelay $0x3  }
0x251: {  	_ =	sfence.sel $0x180000  }
0x252: {  	[bflag:$0x0] =	sbarrier.arrive $0xFFFF  }
0x253: {  	p0 =	sne.s32 s4, $0x0;
	_ =	strace $0x90000047  }
0x254: {  	s0 =	sadd.s32 @!p0 $0x100000, s2;
	[bflag:$0x2] =	sbarrier.arrive $0xFFFF  }
0x255: {  	[sflag:s0] =	ssyncadd.tile.s32 @!p0 $0x1;
	_ =	shalt  }
.Lfunc_end2:
_tile_overlayer_lowered:
.L_overlay_start_2:
0x256: {  	(tag) =	ssettag $0x2  }
0x257: {  	s0 =	rddreg [dreg:$0x0];
	s2 =	stileid.u32  }
0x258: {  	s1 =	rddreg [dreg:$0x1];
	p0 =	sne.s32 s2, $0x0  }
0x259: {  	s3 =	rddreg [dreg:$0x2];
	[bflag:$0x3] =	sbarrier.arrive $0xFFFF;
	s2 =	simm.s32 @!p0 $0x1C03  }
0x25a: {  	[timem:s3], [sflag:s2] =	dma.local @!p0 [hbm:s0], s1  }
0x25b: {  	s0 =	simm.s32 @!p0 $0x3  }
0x25c: {  	_ =	swait.ge @!p0 [sflag:s0], s1  }
0x25d: {  	s1 =	ssub.s32 @!p0 $0x0, s1;
	[sflag:s0] =	ssyncset.done @!p0 $0x0  }
0x25e: {  	[sflag:s0] =	ssyncadd.s32 @!p0 s1  }
0x25f: {  	[bflag:$0x3] =	sbarrier.arrive $0xFFFF  }
0x260: {  	_ =	shalt  }

</sc_bundles>
